<compile_context>
chip_gen: v7x
topology: tpu7x:2x2x1
jax: 0.10.2.dev20260603
libtpu: 0.0.44.dev20260713+nightly
codegen_flags: <defaults>
</compile_context>

<pallas_src>
import functools

import jax
import jax.numpy as jnp
from jax import lax
from jax.experimental import pallas as pl
from jax.experimental.pallas import tpu as pltpu
from jax.experimental.pallas import tpu_sc as plsc

INTD = 32
HD = 96
HDP = 128
RBLK = 512

_N_TEST_BLK = 20
_N_Q_BLK = 196
_N_TAG_BLK = 2
_NBLK = _N_TEST_BLK + _N_Q_BLK + _N_TAG_BLK
_OFF_Q = _N_TEST_BLK * RBLK
_TQ_ROWS = (_N_TEST_BLK + _N_Q_BLK) * RBLK
_G_ROWS = _N_TAG_BLK * RBLK
_TI_ROWS = 3 * _G_ROWS


def _proj_body(xt_ref, xq_ref, xg_ref, w_ref, otq_ref, og_ref):
    g = pl.program_id(0)

    @pl.when(g < _N_TEST_BLK)
    def _():
        otq_ref[...] = jnp.dot(xt_ref[...], w_ref[1], preferred_element_type=jnp.float32)

    @pl.when(jnp.logical_and(g >= _N_TEST_BLK, g < _N_TEST_BLK + _N_Q_BLK))
    def _():
        otq_ref[...] = jnp.dot(xq_ref[...], w_ref[2], preferred_element_type=jnp.float32)

    @pl.when(g >= _N_TEST_BLK + _N_Q_BLK)
    def _():
        og_ref[...] = jnp.dot(xg_ref[...], w_ref[3], preferred_element_type=jnp.float32)


def _project(emb_test, emb_q, emb_tag, w4p):
    return pl.pallas_call(
        _proj_body,
        grid=(_NBLK,),
        in_specs=[
            pl.BlockSpec((RBLK, INTD), lambda g: (jnp.clip(g, 0, _N_TEST_BLK - 1), 0)),
            pl.BlockSpec((RBLK, INTD), lambda g: (jnp.clip(g - _N_TEST_BLK, 0, _N_Q_BLK - 1), 0)),
            pl.BlockSpec((RBLK, INTD), lambda g: (jnp.clip(g - _N_TEST_BLK - _N_Q_BLK, 0, _N_TAG_BLK - 1), 0)),
            pl.BlockSpec((4, INTD, HDP), lambda g: (0, 0, 0)),
        ],
        out_specs=[
            pl.BlockSpec((RBLK, HDP), lambda g: (jnp.clip(g, 0, _N_TEST_BLK + _N_Q_BLK - 1), 0)),
            pl.BlockSpec((RBLK, HDP), lambda g: (jnp.clip(g - _N_TEST_BLK - _N_Q_BLK, 0, _N_TAG_BLK - 1), 0)),
        ],
        out_shape=[
            jax.ShapeDtypeStruct((_TQ_ROWS, HDP), jnp.float32),
            jax.ShapeDtypeStruct((_G_ROWS, HDP), jnp.float32),
        ],
    )(emb_test, emb_q, emb_tag, w4p)


def _combine_body(pg_ref, xi_ref, w_ref, b_ref, o_ref):
    pint = jnp.dot(xi_ref[...], w_ref[0], preferred_element_type=jnp.float32) + b_ref[...]
    pg = pg_ref[...]
    o_ref[...] = (pg[:, None, :] + pint[None, :, :]).reshape(3 * RBLK, HDP)


def _combine(pg, emb_int, w4p, b2p):
    return pl.pallas_call(
        _combine_body,
        grid=(_N_TAG_BLK,),
        in_specs=[
            pl.BlockSpec((RBLK, HDP), lambda g: (g, 0)),
            pl.BlockSpec((3, INTD), lambda g: (0, 0)),
            pl.BlockSpec((4, INTD, HDP), lambda g: (0, 0, 0)),
            pl.BlockSpec((1, HDP), lambda g: (0, 0)),
        ],
        out_specs=pl.BlockSpec((3 * RBLK, HDP), lambda g: (g, 0)),
        out_shape=jax.ShapeDtypeStruct((_TI_ROWS, HDP), jnp.float32),
    )(pg, emb_int, w4p, b2p)


@functools.lru_cache(maxsize=None)
def _make_gather_sum(ntok):
    info = plsc.get_sparse_core_info()
    nc, ns = info.num_cores, info.num_subcores
    nw = nc * ns
    tpw = ntok // nw
    C = 128
    nchunk = tpw // C
    npair = nchunk // 2
    mesh = plsc.VectorSubcoreMesh(core_axis_name="c", subcore_axis_name="s")

    @functools.partial(
        pl.kernel,
        mesh=mesh,
        out_type=jax.ShapeDtypeStruct((ntok, HDP), jnp.float32),
        scratch_types=[
            pltpu.VMEM((4, C), jnp.int32),
            pltpu.VMEM((4, C), jnp.int32),
            pltpu.VMEM((C,), jnp.int32),
            pltpu.VMEM((C,), jnp.int32),
            pltpu.VMEM((C,), jnp.int32),
            pltpu.VMEM((C,), jnp.int32),
            pltpu.VMEM((C, HDP), jnp.float32),
            pltpu.VMEM((C, HDP), jnp.float32),
            pltpu.VMEM((C, HDP), jnp.float32),
            pltpu.VMEM((C, HDP), jnp.float32),
            pltpu.VMEM((C, HDP), jnp.float32),
            pltpu.VMEM((C, HDP), jnp.float32),
            pltpu.SemaphoreType.DMA,
            pltpu.SemaphoreType.DMA,
        ],
    )
    def gather_sum(ptq_hbm, ti_hbm, idx_hbm, out_hbm,
                   ib0, ib1, jq0, jq1, jti0, jti1,
                   rt0, rq0, rti0, rt1, rq1, rti1, gsem0, gsem1):
        wid = lax.axis_index("s") * nc + lax.axis_index("c")
        base = wid * tpw

        slots = (
            (ib0, jq0, jti0, rt0, rq0, rti0, gsem0),
            (ib1, jq1, jti1, rt1, rq1, rti1, gsem1),
        )

        def load_and_fire(slot, g):
            ib, jq, jti, rt, rq, rti, gsem = slots[slot]
            pltpu.sync_copy(idx_hbm.at[wid, pl.ds(4 * g, 4)], ib)
            for j in range(C // 16):
                sl = pl.ds(j * 16, 16)
                jq[sl] = ib[1, sl] + _OFF_Q
                jti[sl] = ib[2, sl] * 3 + ib[3, sl]
            pltpu.async_copy(ptq_hbm.at[ib.at[0]], rt, gsem)
            pltpu.async_copy(ptq_hbm.at[jq], rq, gsem)
            pltpu.async_copy(ti_hbm.at[jti], rti, gsem)

        def drain(slot):
            _, _, _, rt, rq, rti, gsem = slots[slot]
            pltpu.make_async_copy(ptq_hbm.at[pl.ds(0, C)], rt, gsem).wait()
            pltpu.make_async_copy(ptq_hbm.at[pl.ds(0, C)], rq, gsem).wait()
            pltpu.make_async_copy(ptq_hbm.at[pl.ds(0, C)], rti, gsem).wait()

        def finish(slot, g):
            _, _, _, rt, rq, rti, _ = slots[slot]

            def add_one(rr, c2):
                for k in range(HD // 16):
                    sl = pl.ds(k * 16, 16)
                    rt[rr, sl] = rt[rr, sl] + rq[rr, sl] + rti[rr, sl]
                return c2

            lax.fori_loop(0, C, add_one, 0)
            pltpu.sync_copy(rt, out_hbm.at[pl.ds(base + g * C, C)])

        load_and_fire(0, 0)

        def pair(p, carry):
            g0 = 2 * p
            g1 = g0 + 1
            load_and_fire(1, g1)
            drain(0)
            finish(0, g0)

            @pl.when(p < npair - 1)
            def _():
                load_and_fire(0, g0 + 2)

            drain(1)
            finish(1, g1)
            return carry

        lax.fori_loop(0, npair, pair, 0)

    return gather_sum, nw, nchunk, C


_FIN_BLK = 12800


def _finish_body(x_ref, o_ref):
    o_ref[...] = x_ref[:, :HD]


def _finish(xp, ntok):
    return pl.pallas_call(
        _finish_body,
        grid=(ntok // _FIN_BLK,),
        in_specs=[pl.BlockSpec((_FIN_BLK, HDP), lambda g: (g, 0))],
        out_specs=pl.BlockSpec((_FIN_BLK, HD), lambda g: (g, 0)),
        out_shape=jax.ShapeDtypeStruct((ntok, HD), jnp.float32),
    )(xp)


def kernel(testId, assessmentItemID, KnowledgeTag, answerCode, mask, interaction,
           emb_interaction, emb_test, emb_question, emb_tag, W, b):
    bsz, seq = interaction.shape
    ntok = bsz * seq
    gather_sum, nw, nchunk, C = _make_gather_sum(ntok)

    ii = interaction.reshape(-1).astype(jnp.int32)
    it = testId.reshape(-1).astype(jnp.int32)
    iq = assessmentItemID.reshape(-1).astype(jnp.int32)
    ig = KnowledgeTag.reshape(-1).astype(jnp.int32)
    idx4 = (jnp.stack([it, iq, ig, ii])
            .reshape(4, nw, nchunk, C)
            .transpose(1, 2, 0, 3)
            .reshape(nw, 4 * nchunk, C))

    w4p = jnp.pad(W.reshape(4, INTD, HD), ((0, 0), (0, 0), (0, HDP - HD)))
    b2p = jnp.pad(b.reshape(1, HD), ((0, 0), (0, HDP - HD)))
    ptq, pg = _project(emb_test, emb_question, emb_tag, w4p)
    ti = _combine(pg, emb_interaction, w4p, b2p)
    Xf = gather_sum(ptq, ti, idx4)
    X = _finish(Xf, ntok).reshape(bsz, seq, HD)
    return (X, bsz)

# --- scband reference (transcript-rebuilt; emitter-appended) ---
"""Pipeline reference for scband-model-base-15719580303589 (READ-ONLY COPY).

The authoritative reference and input builder live on the scoring server;
editing this copy changes nothing except your own understanding.
"""

import jax, jax.numpy as jnp
import numpy as np

B, L = 4096, 200
INTD, HD = 32, 96
N_TESTS, N_QUESTIONS, N_TAGS = 10000, 100000, 1000


def setup_inputs(seed: int = 0) -> dict:
    key = jax.random.key(seed)
    ks = jax.random.split(key, 12)
    inp = {}
    inp["testId"] = jax.random.randint(ks[0], (B, L), 0, N_TESTS)
    inp["assessmentItemID"] = jax.random.randint(ks[1], (B, L), 0, N_QUESTIONS)
    inp["KnowledgeTag"] = jax.random.randint(ks[2], (B, L), 0, N_TAGS)
    inp["answerCode"] = jax.random.randint(ks[3], (B, L), 0, 2)
    inp["mask"] = jnp.ones((B, L), dtype=bool)
    inp["interaction"] = jax.random.randint(ks[4], (B, L), 0, 3)
    # learned parameters
    inp["emb_interaction"] = jax.random.normal(ks[5], (3, INTD), dtype=jnp.float32)
    inp["emb_test"] = jax.random.normal(ks[6], (N_TESTS + 1, INTD), dtype=jnp.float32)
    inp["emb_question"] = jax.random.normal(ks[7], (N_QUESTIONS + 1, INTD), dtype=jnp.float32)
    inp["emb_tag"] = jax.random.normal(ks[8], (N_TAGS + 1, INTD), dtype=jnp.float32)
    inp["W"] = jax.random.normal(ks[9], (4 * INTD, HD), dtype=jnp.float32) * (1.0 / np.sqrt(4 * INTD))
    inp["b"] = jnp.zeros((HD,), dtype=jnp.float32)
    return inp


def reference(testId, assessmentItemID, KnowledgeTag, answerCode, mask, interaction,
              emb_interaction, emb_test, emb_question, emb_tag, W, b):
    embed_interaction = jnp.take(emb_interaction, interaction, axis=0)
    embed_test = jnp.take(emb_test, testId, axis=0)
    embed_question = jnp.take(emb_question, assessmentItemID, axis=0)
    embed_tag = jnp.take(emb_tag, KnowledgeTag, axis=0)
    embed = jnp.concatenate([embed_interaction, embed_test, embed_question, embed_tag], axis=2)
    X = embed @ W + b  # comb_proj
    batch_size = interaction.shape[0]
    return (X, batch_size)

if __name__ == "__main__":
    import jax
    _d = setup_inputs()
    print(jax.jit(kernel)(*tuple(_d.values())))

</pallas_src>

<mosaic_0001>
#map = affine_map<(d0, d1) -> (0, 0)>
#map1 = affine_map<(d0, d1) -> (0, 0, 0)>
module attributes {stable_mosaic.version = 14 : i64} {
  func.func @gather_sum(%arg0: i32, %arg1: i32, %arg2: memref<110592x128xf32, #tpu.memory_space<hbm>>, %arg3: memref<3072x128xf32, #tpu.memory_space<hbm>>, %arg4: memref<32x800x128xi32, #tpu.memory_space<hbm>>, %arg5: memref<819200x128xf32, #tpu.memory_space<hbm>>, %arg6: memref<4x128xi32, #tpu.memory_space<vmem>>, %arg7: memref<4x128xi32, #tpu.memory_space<vmem>>, %arg8: memref<128xi32, #tpu.memory_space<vmem>>, %arg9: memref<128xi32, #tpu.memory_space<vmem>>, %arg10: memref<128xi32, #tpu.memory_space<vmem>>, %arg11: memref<128xi32, #tpu.memory_space<vmem>>, %arg12: memref<128x128xf32, #tpu.memory_space<vmem>>, %arg13: memref<128x128xf32, #tpu.memory_space<vmem>>, %arg14: memref<128x128xf32, #tpu.memory_space<vmem>>, %arg15: memref<128x128xf32, #tpu.memory_space<vmem>>, %arg16: memref<128x128xf32, #tpu.memory_space<vmem>>, %arg17: memref<128x128xf32, #tpu.memory_space<vmem>>, %arg18: memref<!tpu.dma_semaphore, #tpu.memory_space<semaphore_mem>>, %arg19: memref<!tpu.dma_semaphore, #tpu.memory_space<semaphore_mem>>) attributes {dimension_semantics = [#tpu.dimension_semantics<core_parallel>, #tpu.dimension_semantics<subcore_parallel>], iteration_bounds = array<i64: 2, 16>, scalar_prefetch = 0 : i64, scratch_operands = 14 : i64, tpu.core_type = #tpu.core_type<sc_vector_subcore>, window_params = [{transform_indices = #map}, {transform_indices = #map}, {transform_indices = #map1}, {transform_indices = #map}]} {
    %mul3A = arith.constant 2 : i32
    %mul3A_0 = arith.muli %arg1, %mul3A : i32
    %add3A = arith.addi %mul3A_0, %arg0 : i32
    %mul3A_1 = arith.constant 25600 : i32
    %mul3A_2 = arith.muli %add3A, %mul3A_1 : i32
    "tpu.region"() ({
      %run_scoped3A = tpu.sem_alloc : memref<!tpu.dma_semaphore, #tpu.memory_space<semaphore_mem>>
      %dma_start3A_258 = arith.constant 0 : i32
      %dma_start3A_259 = arith.constant 0 : i32
      %dma_start3A_260 = tpu.memref_slice %arg4[%add3A, %dma_start3A_258, %dma_start3A_259] : memref<32x800x128xi32, #tpu.memory_space<hbm>> -> memref<1x4x128xi32, #tpu.memory_space<hbm>>
      %dma_start3A_261 = tpu.memref_squeeze %dma_start3A_260 : memref<1x4x128xi32, #tpu.memory_space<hbm>> -> memref<4x128xi32, #tpu.memory_space<hbm>>
      %dma_start3A_262 = arith.constant 0 : i32
      %dma_start3A_263 = arith.constant 0 : i32
      %dma_start3A_264 = tpu.memref_slice %arg4[%add3A, %dma_start3A_262, %dma_start3A_263] : memref<32x800x128xi32, #tpu.memory_space<hbm>> -> memref<1x4x128xi32, #tpu.memory_space<hbm>>
      %dma_start3A_265 = tpu.memref_squeeze %dma_start3A_264 : memref<1x4x128xi32, #tpu.memory_space<hbm>> -> memref<4x128xi32, #tpu.memory_space<hbm>>
      tpu.enqueue_dma source(%dma_start3A_265 : memref<4x128xi32, #tpu.memory_space<hbm>>) target(%arg6 : memref<4x128xi32, #tpu.memory_space<vmem>>) target_semaphore(%run_scoped3A : memref<!tpu.dma_semaphore, #tpu.memory_space<semaphore_mem>>)
      %dma_wait3A = arith.constant 0 : i32
      %dma_wait3A_266 = arith.constant 0 : i32
      %dma_wait3A_267 = tpu.memref_slice %arg4[%add3A, %dma_wait3A, %dma_wait3A_266] : memref<32x800x128xi32, #tpu.memory_space<hbm>> -> memref<1x4x128xi32, #tpu.memory_space<hbm>>
      %dma_wait3A_268 = tpu.memref_squeeze %dma_wait3A_267 : memref<1x4x128xi32, #tpu.memory_space<hbm>> -> memref<4x128xi32, #tpu.memory_space<hbm>>
      %dma_wait3A_269 = arith.constant 0 : i32
      %dma_wait3A_270 = arith.constant 0 : i32
      %dma_wait3A_271 = tpu.memref_slice %arg4[%add3A, %dma_wait3A_269, %dma_wait3A_270] : memref<32x800x128xi32, #tpu.memory_space<hbm>> -> memref<1x4x128xi32, #tpu.memory_space<hbm>>
      %dma_wait3A_272 = tpu.memref_squeeze %dma_wait3A_271 : memref<1x4x128xi32, #tpu.memory_space<hbm>> -> memref<4x128xi32, #tpu.memory_space<hbm>>
      tpu.wait_dma2 semaphore(%run_scoped3A : memref<!tpu.dma_semaphore, #tpu.memory_space<semaphore_mem>>) src(%dma_wait3A_272 : memref<4x128xi32, #tpu.memory_space<hbm>>) dst(%arg6 : memref<4x128xi32, #tpu.memory_space<vmem>>)
      tpu.yield
    }) : () -> ()
    %get3A = arith.constant 1 : i32
    %get3A_3 = arith.index_cast %get3A : i32 to index
    %get3A_4 = arith.constant 0 : index
    %get3A_5 = tpu.vector_load %arg6[%get3A_3, %get3A_4] {strides = array<i32>} : memref<4x128xi32, #tpu.memory_space<vmem>>, vector<1x16xi32>,
    %get3A_6 = vector.shape_cast %get3A_5 : vector<1x16xi32> to vector<16xi32>
    %add3A_7 = arith.constant 10240 : i32
    %add3A_8 = vector.broadcast %add3A_7 : i32 to vector<16xi32>
    %add3A_9 = arith.addi %get3A_6, %add3A_8 : vector<16xi32>
    %swap3A = arith.constant 0 : index
    %swap3A_10 = tpu.vector_load %arg8[%swap3A] {strides = array<i32>} : memref<128xi32, #tpu.memory_space<vmem>>, vector<16xi32>,
    %swap3A_11 = vector.shape_cast %swap3A_10 : vector<16xi32> to vector<16xi32>
    %swap3A_12 = vector.shape_cast %add3A_9 : vector<16xi32> to vector<16xi32>
    tpu.vector_store %arg8[%swap3A], %swap3A_12 {strides = array<i32>} : memref<128xi32, #tpu.memory_space<vmem>>, vector<16xi32>,
    %get3A_13 = arith.constant 2 : i32
    %get3A_14 = arith.index_cast %get3A_13 : i32 to index
    %get3A_15 = arith.constant 0 : index
    %get3A_16 = tpu.vector_load %arg6[%get3A_14, %get3A_15] {strides = array<i32>} : memref<4x128xi32, #tpu.memory_space<vmem>>, vector<1x16xi32>,
    %get3A_17 = vector.shape_cast %get3A_16 : vector<1x16xi32> to vector<16xi32>
    %mul3A_18 = arith.constant 3 : i32
    %mul3A_19 = vector.broadcast %mul3A_18 : i32 to vector<16xi32>
    %mul3A_20 = arith.muli %get3A_17, %mul3A_19 : vector<16xi32>
    %get3A_21 = arith.constant 3 : i32
    %get3A_22 = arith.index_cast %get3A_21 : i32 to index
    %get3A_23 = arith.constant 0 : index
    %get3A_24 = tpu.vector_load %arg6[%get3A_22, %get3A_23] {strides = array<i32>} : memref<4x128xi32, #tpu.memory_space<vmem>>, vector<1x16xi32>,
    %get3A_25 = vector.shape_cast %get3A_24 : vector<1x16xi32> to vector<16xi32>
    %add3A_26 = arith.addi %mul3A_20, %get3A_25 : vector<16xi32>
    %swap3A_27 = arith.constant 0 : index
    %swap3A_28 = tpu.vector_load %arg10[%swap3A_27] {strides = array<i32>} : memref<128xi32, #tpu.memory_space<vmem>>, vector<16xi32>,
    %swap3A_29 = vector.shape_cast %swap3A_28 : vector<16xi32> to vector<16xi32>
    %swap3A_30 = vector.shape_cast %add3A_26 : vector<16xi32> to vector<16xi32>
    tpu.vector_store %arg10[%swap3A_27], %swap3A_30 {strides = array<i32>} : memref<128xi32, #tpu.memory_space<vmem>>, vector<16xi32>,
    %get3A_31 = arith.constant 1 : i32
    %get3A_32 = arith.index_cast %get3A_31 : i32 to index
    %get3A_33 = arith.constant 16 : index
    %get3A_34 = tpu.vector_load %arg6[%get3A_32, %get3A_33] {strides = array<i32>} : memref<4x128xi32, #tpu.memory_space<vmem>>, vector<1x16xi32>,
    %get3A_35 = vector.shape_cast %get3A_34 : vector<1x16xi32> to vector<16xi32>
    %add3A_36 = arith.constant 10240 : i32
    %add3A_37 = vector.broadcast %add3A_36 : i32 to vector<16xi32>
    %add3A_38 = arith.addi %get3A_35, %add3A_37 : vector<16xi32>
    %swap3A_39 = arith.constant 16 : index
    %swap3A_40 = tpu.vector_load %arg8[%swap3A_39] {strides = array<i32>} : memref<128xi32, #tpu.memory_space<vmem>>, vector<16xi32>,
    %swap3A_41 = vector.shape_cast %swap3A_40 : vector<16xi32> to vector<16xi32>
    %swap3A_42 = vector.shape_cast %add3A_38 : vector<16xi32> to vector<16xi32>
    tpu.vector_store %arg8[%swap3A_39], %swap3A_42 {strides = array<i32>} : memref<128xi32, #tpu.memory_space<vmem>>, vector<16xi32>,
    %get3A_43 = arith.constant 2 : i32
    %get3A_44 = arith.index_cast %get3A_43 : i32 to index
    %get3A_45 = arith.constant 16 : index
    %get3A_46 = tpu.vector_load %arg6[%get3A_44, %get3A_45] {strides = array<i32>} : memref<4x128xi32, #tpu.memory_space<vmem>>, vector<1x16xi32>,
    %get3A_47 = vector.shape_cast %get3A_46 : vector<1x16xi32> to vector<16xi32>
    %mul3A_48 = arith.constant 3 : i32
    %mul3A_49 = vector.broadcast %mul3A_48 : i32 to vector<16xi32>
    %mul3A_50 = arith.muli %get3A_47, %mul3A_49 : vector<16xi32>
    %get3A_51 = arith.constant 3 : i32
    %get3A_52 = arith.index_cast %get3A_51 : i32 to index
    %get3A_53 = arith.constant 16 : index
    %get3A_54 = tpu.vector_load %arg6[%get3A_52, %get3A_53] {strides = array<i32>} : memref<4x128xi32, #tpu.memory_space<vmem>>, vector<1x16xi32>,
    %get3A_55 = vector.shape_cast %get3A_54 : vector<1x16xi32> to vector<16xi32>
    %add3A_56 = arith.addi %mul3A_50, %get3A_55 : vector<16xi32>
    %swap3A_57 = arith.constant 16 : index
    %swap3A_58 = tpu.vector_load %arg10[%swap3A_57] {strides = array<i32>} : memref<128xi32, #tpu.memory_space<vmem>>, vector<16xi32>,
    %swap3A_59 = vector.shape_cast %swap3A_58 : vector<16xi32> to vector<16xi32>
    %swap3A_60 = vector.shape_cast %add3A_56 : vector<16xi32> to vector<16xi32>
    tpu.vector_store %arg10[%swap3A_57], %swap3A_60 {strides = array<i32>} : memref<128xi32, #tpu.memory_space<vmem>>, vector<16xi32>,
    %get3A_61 = arith.constant 1 : i32
    %get3A_62 = arith.index_cast %get3A_61 : i32 to index
    %get3A_63 = arith.constant 32 : index
    %get3A_64 = tpu.vector_load %arg6[%get3A_62, %get3A_63] {strides = array<i32>} : memref<4x128xi32, #tpu.memory_space<vmem>>, vector<1x16xi32>,
    %get3A_65 = vector.shape_cast %get3A_64 : vector<1x16xi32> to vector<16xi32>
    %add3A_66 = arith.constant 10240 : i32
    %add3A_67 = vector.broadcast %add3A_66 : i32 to vector<16xi32>
    %add3A_68 = arith.addi %get3A_65, %add3A_67 : vector<16xi32>
    %swap3A_69 = arith.constant 32 : index
    %swap3A_70 = tpu.vector_load %arg8[%swap3A_69] {strides = array<i32>} : memref<128xi32, #tpu.memory_space<vmem>>, vector<16xi32>,
    %swap3A_71 = vector.shape_cast %swap3A_70 : vector<16xi32> to vector<16xi32>
    %swap3A_72 = vector.shape_cast %add3A_68 : vector<16xi32> to vector<16xi32>
    tpu.vector_store %arg8[%swap3A_69], %swap3A_72 {strides = array<i32>} : memref<128xi32, #tpu.memory_space<vmem>>, vector<16xi32>,
    %get3A_73 = arith.constant 2 : i32
    %get3A_74 = arith.index_cast %get3A_73 : i32 to index
    %get3A_75 = arith.constant 32 : index
    %get3A_76 = tpu.vector_load %arg6[%get3A_74, %get3A_75] {strides = array<i32>} : memref<4x128xi32, #tpu.memory_space<vmem>>, vector<1x16xi32>,
    %get3A_77 = vector.shape_cast %get3A_76 : vector<1x16xi32> to vector<16xi32>
    %mul3A_78 = arith.constant 3 : i32
    %mul3A_79 = vector.broadcast %mul3A_78 : i32 to vector<16xi32>
    %mul3A_80 = arith.muli %get3A_77, %mul3A_79 : vector<16xi32>
    %get3A_81 = arith.constant 3 : i32
    %get3A_82 = arith.index_cast %get3A_81 : i32 to index
    %get3A_83 = arith.constant 32 : index
    %get3A_84 = tpu.vector_load %arg6[%get3A_82, %get3A_83] {strides = array<i32>} : memref<4x128xi32, #tpu.memory_space<vmem>>, vector<1x16xi32>,
    %get3A_85 = vector.shape_cast %get3A_84 : vector<1x16xi32> to vector<16xi32>
    %add3A_86 = arith.addi %mul3A_80, %get3A_85 : vector<16xi32>
    %swap3A_87 = arith.constant 32 : index
    %swap3A_88 = tpu.vector_load %arg10[%swap3A_87] {strides = array<i32>} : memref<128xi32, #tpu.memory_space<vmem>>, vector<16xi32>,
    %swap3A_89 = vector.shape_cast %swap3A_88 : vector<16xi32> to vector<16xi32>
    %swap3A_90 = vector.shape_cast %add3A_86 : vector<16xi32> to vector<16xi32>
    tpu.vector_store %arg10[%swap3A_87], %swap3A_90 {strides = array<i32>} : memref<128xi32, #tpu.memory_space<vmem>>, vector<16xi32>,
    %get3A_91 = arith.constant 1 : i32
    %get3A_92 = arith.index_cast %get3A_91 : i32 to index
    %get3A_93 = arith.constant 48 : index
    %get3A_94 = tpu.vector_load %arg6[%get3A_92, %get3A_93] {strides = array<i32>} : memref<4x128xi32, #tpu.memory_space<vmem>>, vector<1x16xi32>,
    %get3A_95 = vector.shape_cast %get3A_94 : vector<1x16xi32> to vector<16xi32>
    %add3A_96 = arith.constant 10240 : i32
    %add3A_97 = vector.broadcast %add3A_96 : i32 to vector<16xi32>
    %add3A_98 = arith.addi %get3A_95, %add3A_97 : vector<16xi32>
    %swap3A_99 = arith.constant 48 : index
    %swap3A_100 = tpu.vector_load %arg8[%swap3A_99] {strides = array<i32>} : memref<128xi32, #tpu.memory_space<vmem>>, vector<16xi32>,
    %swap3A_101 = vector.shape_cast %swap3A_100 : vector<16xi32> to vector<16xi32>
    %swap3A_102 = vector.shape_cast %add3A_98 : vector<16xi32> to vector<16xi32>
    tpu.vector_store %arg8[%swap3A_99], %swap3A_102 {strides = array<i32>} : memref<128xi32, #tpu.memory_space<vmem>>, vector<16xi32>,
    %get3A_103 = arith.constant 2 : i32
    %get3A_104 = arith.index_cast %get3A_103 : i32 to index
    %get3A_105 = arith.constant 48 : index
    %get3A_106 = tpu.vector_load %arg6[%get3A_104, %get3A_105] {strides = array<i32>} : memref<4x128xi32, #tpu.memory_space<vmem>>, vector<1x16xi32>,
    %get3A_107 = vector.shape_cast %get3A_106 : vector<1x16xi32> to vector<16xi32>
    %mul3A_108 = arith.constant 3 : i32
    %mul3A_109 = vector.broadcast %mul3A_108 : i32 to vector<16xi32>
    %mul3A_110 = arith.muli %get3A_107, %mul3A_109 : vector<16xi32>
    %get3A_111 = arith.constant 3 : i32
    %get3A_112 = arith.index_cast %get3A_111 : i32 to index
    %get3A_113 = arith.constant 48 : index
    %get3A_114 = tpu.vector_load %arg6[%get3A_112, %get3A_113] {strides = array<i32>} : memref<4x128xi32, #tpu.memory_space<vmem>>, vector<1x16xi32>,
    %get3A_115 = vector.shape_cast %get3A_114 : vector<1x16xi32> to vector<16xi32>
    %add3A_116 = arith.addi %mul3A_110, %get3A_115 : vector<16xi32>
    %swap3A_117 = arith.constant 48 : index
    %swap3A_118 = tpu.vector_load %arg10[%swap3A_117] {strides = array<i32>} : memref<128xi32, #tpu.memory_space<vmem>>, vector<16xi32>,
    %swap3A_119 = vector.shape_cast %swap3A_118 : vector<16xi32> to vector<16xi32>
    %swap3A_120 = vector.shape_cast %add3A_116 : vector<16xi32> to vector<16xi32>
    tpu.vector_store %arg10[%swap3A_117], %swap3A_120 {strides = array<i32>} : memref<128xi32, #tpu.memory_space<vmem>>, vector<16xi32>,
    %get3A_121 = arith.constant 1 : i32
    %get3A_122 = arith.index_cast %get3A_121 : i32 to index
    %get3A_123 = arith.constant 64 : index
    %get3A_124 = tpu.vector_load %arg6[%get3A_122, %get3A_123] {strides = array<i32>} : memref<4x128xi32, #tpu.memory_space<vmem>>, vector<1x16xi32>,
    %get3A_125 = vector.shape_cast %get3A_124 : vector<1x16xi32> to vector<16xi32>
    %add3A_126 = arith.constant 10240 : i32
    %add3A_127 = vector.broadcast %add3A_126 : i32 to vector<16xi32>
    %add3A_128 = arith.addi %get3A_125, %add3A_127 : vector<16xi32>
    %swap3A_129 = arith.constant 64 : index
    %swap3A_130 = tpu.vector_load %arg8[%swap3A_129] {strides = array<i32>} : memref<128xi32, #tpu.memory_space<vmem>>, vector<16xi32>,
    %swap3A_131 = vector.shape_cast %swap3A_130 : vector<16xi32> to vector<16xi32>
    %swap3A_132 = vector.shape_cast %add3A_128 : vector<16xi32> to vector<16xi32>
    tpu.vector_store %arg8[%swap3A_129], %swap3A_132 {strides = array<i32>} : memref<128xi32, #tpu.memory_space<vmem>>, vector<16xi32>,
    %get3A_133 = arith.constant 2 : i32
    %get3A_134 = arith.index_cast %get3A_133 : i32 to index
    %get3A_135 = arith.constant 64 : index
    %get3A_136 = tpu.vector_load %arg6[%get3A_134, %get3A_135] {strides = array<i32>} : memref<4x128xi32, #tpu.memory_space<vmem>>, vector<1x16xi32>,
    %get3A_137 = vector.shape_cast %get3A_136 : vector<1x16xi32> to vector<16xi32>
    %mul3A_138 = arith.constant 3 : i32
    %mul3A_139 = vector.broadcast %mul3A_138 : i32 to vector<16xi32>
    %mul3A_140 = arith.muli %get3A_137, %mul3A_139 : vector<16xi32>
    %get3A_141 = arith.constant 3 : i32
    %get3A_142 = arith.index_cast %get3A_141 : i32 to index
    %get3A_143 = arith.constant 64 : index
    %get3A_144 = tpu.vector_load %arg6[%get3A_142, %get3A_143] {strides = array<i32>} : memref<4x128xi32, #tpu.memory_space<vmem>>, vector<1x16xi32>,
    %get3A_145 = vector.shape_cast %get3A_144 : vector<1x16xi32> to vector<16xi32>
    %add3A_146 = arith.addi %mul3A_140, %get3A_145 : vector<16xi32>
    %swap3A_147 = arith.constant 64 : index
    %swap3A_148 = tpu.vector_load %arg10[%swap3A_147] {strides = array<i32>} : memref<128xi32, #tpu.memory_space<vmem>>, vector<16xi32>,
    %swap3A_149 = vector.shape_cast %swap3A_148 : vector<16xi32> to vector<16xi32>
    %swap3A_150 = vector.shape_cast %add3A_146 : vector<16xi32> to vector<16xi32>
    tpu.vector_store %arg10[%swap3A_147], %swap3A_150 {strides = array<i32>} : memref<128xi32, #tpu.memory_space<vmem>>, vector<16xi32>,
    %get3A_151 = arith.constant 1 : i32
    %get3A_152 = arith.index_cast %get3A_151 : i32 to index
    %get3A_153 = arith.constant 80 : index
    %get3A_154 = tpu.vector_load %arg6[%get3A_152, %get3A_153] {strides = array<i32>} : memref<4x128xi32, #tpu.memory_space<vmem>>, vector<1x16xi32>,
    %get3A_155 = vector.shape_cast %get3A_154 : vector<1x16xi32> to vector<16xi32>
    %add3A_156 = arith.constant 10240 : i32
    %add3A_157 = vector.broadcast %add3A_156 : i32 to vector<16xi32>
    %add3A_158 = arith.addi %get3A_155, %add3A_157 : vector<16xi32>
    %swap3A_159 = arith.constant 80 : index
    %swap3A_160 = tpu.vector_load %arg8[%swap3A_159] {strides = array<i32>} : memref<128xi32, #tpu.memory_space<vmem>>, vector<16xi32>,
    %swap3A_161 = vector.shape_cast %swap3A_160 : vector<16xi32> to vector<16xi32>
    %swap3A_162 = vector.shape_cast %add3A_158 : vector<16xi32> to vector<16xi32>
    tpu.vector_store %arg8[%swap3A_159], %swap3A_162 {strides = array<i32>} : memref<128xi32, #tpu.memory_space<vmem>>, vector<16xi32>,
    %get3A_163 = arith.constant 2 : i32
    %get3A_164 = arith.index_cast %get3A_163 : i32 to index
    %get3A_165 = arith.constant 80 : index
    %get3A_166 = tpu.vector_load %arg6[%get3A_164, %get3A_165] {strides = array<i32>} : memref<4x128xi32, #tpu.memory_space<vmem>>, vector<1x16xi32>,
    %get3A_167 = vector.shape_cast %get3A_166 : vector<1x16xi32> to vector<16xi32>
    %mul3A_168 = arith.constant 3 : i32
    %mul3A_169 = vector.broadcast %mul3A_168 : i32 to vector<16xi32>
    %mul3A_170 = arith.muli %get3A_167, %mul3A_169 : vector<16xi32>
    %get3A_171 = arith.constant 3 : i32
    %get3A_172 = arith.index_cast %get3A_171 : i32 to index
    %get3A_173 = arith.constant 80 : index
    %get3A_174 = tpu.vector_load %arg6[%get3A_172, %get3A_173] {strides = array<i32>} : memref<4x128xi32, #tpu.memory_space<vmem>>, vector<1x16xi32>,
    %get3A_175 = vector.shape_cast %get3A_174 : vector<1x16xi32> to vector<16xi32>
    %add3A_176 = arith.addi %mul3A_170, %get3A_175 : vector<16xi32>
    %swap3A_177 = arith.constant 80 : index
    %swap3A_178 = tpu.vector_load %arg10[%swap3A_177] {strides = array<i32>} : memref<128xi32, #tpu.memory_space<vmem>>, vector<16xi32>,
    %swap3A_179 = vector.shape_cast %swap3A_178 : vector<16xi32> to vector<16xi32>
    %swap3A_180 = vector.shape_cast %add3A_176 : vector<16xi32> to vector<16xi32>
    tpu.vector_store %arg10[%swap3A_177], %swap3A_180 {strides = array<i32>} : memref<128xi32, #tpu.memory_space<vmem>>, vector<16xi32>,
    %get3A_181 = arith.constant 1 : i32
    %get3A_182 = arith.index_cast %get3A_181 : i32 to index
    %get3A_183 = arith.constant 96 : index
    %get3A_184 = tpu.vector_load %arg6[%get3A_182, %get3A_183] {strides = array<i32>} : memref<4x128xi32, #tpu.memory_space<vmem>>, vector<1x16xi32>,
    %get3A_185 = vector.shape_cast %get3A_184 : vector<1x16xi32> to vector<16xi32>
    %add3A_186 = arith.constant 10240 : i32
    %add3A_187 = vector.broadcast %add3A_186 : i32 to vector<16xi32>
    %add3A_188 = arith.addi %get3A_185, %add3A_187 : vector<16xi32>
    %swap3A_189 = arith.constant 96 : index
    %swap3A_190 = tpu.vector_load %arg8[%swap3A_189] {strides = array<i32>} : memref<128xi32, #tpu.memory_space<vmem>>, vector<16xi32>,
    %swap3A_191 = vector.shape_cast %swap3A_190 : vector<16xi32> to vector<16xi32>
    %swap3A_192 = vector.shape_cast %add3A_188 : vector<16xi32> to vector<16xi32>
    tpu.vector_store %arg8[%swap3A_189], %swap3A_192 {strides = array<i32>} : memref<128xi32, #tpu.memory_space<vmem>>, vector<16xi32>,
    %get3A_193 = arith.constant 2 : i32
    %get3A_194 = arith.index_cast %get3A_193 : i32 to index
    %get3A_195 = arith.constant 96 : index
    %get3A_196 = tpu.vector_load %arg6[%get3A_194, %get3A_195] {strides = array<i32>} : memref<4x128xi32, #tpu.memory_space<vmem>>, vector<1x16xi32>,
    %get3A_197 = vector.shape_cast %get3A_196 : vector<1x16xi32> to vector<16xi32>
    %mul3A_198 = arith.constant 3 : i32
    %mul3A_199 = vector.broadcast %mul3A_198 : i32 to vector<16xi32>
    %mul3A_200 = arith.muli %get3A_197, %mul3A_199 : vector<16xi32>
    %get3A_201 = arith.constant 3 : i32
    %get3A_202 = arith.index_cast %get3A_201 : i32 to index
    %get3A_203 = arith.constant 96 : index
    %get3A_204 = tpu.vector_load %arg6[%get3A_202, %get3A_203] {strides = array<i32>} : memref<4x128xi32, #tpu.memory_space<vmem>>, vector<1x16xi32>,
    %get3A_205 = vector.shape_cast %get3A_204 : vector<1x16xi32> to vector<16xi32>
    %add3A_206 = arith.addi %mul3A_200, %get3A_205 : vector<16xi32>
    %swap3A_207 = arith.constant 96 : index
    %swap3A_208 = tpu.vector_load %arg10[%swap3A_207] {strides = array<i32>} : memref<128xi32, #tpu.memory_space<vmem>>, vector<16xi32>,
    %swap3A_209 = vector.shape_cast %swap3A_208 : vector<16xi32> to vector<16xi32>
    %swap3A_210 = vector.shape_cast %add3A_206 : vector<16xi32> to vector<16xi32>
    tpu.vector_store %arg10[%swap3A_207], %swap3A_210 {strides = array<i32>} : memref<128xi32, #tpu.memory_space<vmem>>, vector<16xi32>,
    %get3A_211 = arith.constant 1 : i32
    %get3A_212 = arith.index_cast %get3A_211 : i32 to index
    %get3A_213 = arith.constant 112 : index
    %get3A_214 = tpu.vector_load %arg6[%get3A_212, %get3A_213] {strides = array<i32>} : memref<4x128xi32, #tpu.memory_space<vmem>>, vector<1x16xi32>,
    %get3A_215 = vector.shape_cast %get3A_214 : vector<1x16xi32> to vector<16xi32>
    %add3A_216 = arith.constant 10240 : i32
    %add3A_217 = vector.broadcast %add3A_216 : i32 to vector<16xi32>
    %add3A_218 = arith.addi %get3A_215, %add3A_217 : vector<16xi32>
    %swap3A_219 = arith.constant 112 : index
    %swap3A_220 = tpu.vector_load %arg8[%swap3A_219] {strides = array<i32>} : memref<128xi32, #tpu.memory_space<vmem>>, vector<16xi32>,
    %swap3A_221 = vector.shape_cast %swap3A_220 : vector<16xi32> to vector<16xi32>
    %swap3A_222 = vector.shape_cast %add3A_218 : vector<16xi32> to vector<16xi32>
    tpu.vector_store %arg8[%swap3A_219], %swap3A_222 {strides = array<i32>} : memref<128xi32, #tpu.memory_space<vmem>>, vector<16xi32>,
    %get3A_223 = arith.constant 2 : i32
    %get3A_224 = arith.index_cast %get3A_223 : i32 to index
    %get3A_225 = arith.constant 112 : index
    %get3A_226 = tpu.vector_load %arg6[%get3A_224, %get3A_225] {strides = array<i32>} : memref<4x128xi32, #tpu.memory_space<vmem>>, vector<1x16xi32>,
    %get3A_227 = vector.shape_cast %get3A_226 : vector<1x16xi32> to vector<16xi32>
    %mul3A_228 = arith.constant 3 : i32
    %mul3A_229 = vector.broadcast %mul3A_228 : i32 to vector<16xi32>
    %mul3A_230 = arith.muli %get3A_227, %mul3A_229 : vector<16xi32>
    %get3A_231 = arith.constant 3 : i32
    %get3A_232 = arith.index_cast %get3A_231 : i32 to index
    %get3A_233 = arith.constant 112 : index
    %get3A_234 = tpu.vector_load %arg6[%get3A_232, %get3A_233] {strides = array<i32>} : memref<4x128xi32, #tpu.memory_space<vmem>>, vector<1x16xi32>,
    %get3A_235 = vector.shape_cast %get3A_234 : vector<1x16xi32> to vector<16xi32>
    %add3A_236 = arith.addi %mul3A_230, %get3A_235 : vector<16xi32>
    %swap3A_237 = arith.constant 112 : index
    %swap3A_238 = tpu.vector_load %arg10[%swap3A_237] {strides = array<i32>} : memref<128xi32, #tpu.memory_space<vmem>>, vector<16xi32>,
    %swap3A_239 = vector.shape_cast %swap3A_238 : vector<16xi32> to vector<16xi32>
    %swap3A_240 = vector.shape_cast %add3A_236 : vector<16xi32> to vector<16xi32>
    tpu.vector_store %arg10[%swap3A_237], %swap3A_240 {strides = array<i32>} : memref<128xi32, #tpu.memory_space<vmem>>, vector<16xi32>,
    %dma_start3A = arith.constant 0 : i32
    %dma_start3A_241 = arith.constant 0 : i32
    %dma_start3A_242 = tpu.memref_slice %arg6[%dma_start3A, %dma_start3A_241] : memref<4x128xi32, #tpu.memory_space<vmem>> -> memref<1x128xi32, #tpu.memory_space<vmem>>
    %dma_start3A_243 = tpu.memref_squeeze %dma_start3A_242 : memref<1x128xi32, #tpu.memory_space<vmem>> -> memref<128xi32, #tpu.memory_space<vmem>>
    %dma_start3A_244 = arith.constant 0 : i32
    %dma_start3A_245 = arith.constant 0 : i32
    %dma_start3A_246 = tpu.memref_slice %arg2[%dma_start3A_244, %dma_start3A_245] : memref<110592x128xf32, #tpu.memory_space<hbm>> -> memref<110592x128xf32, #tpu.memory_space<hbm>>
    tpu.enqueue_indirect_dma source(%dma_start3A_246 : memref<110592x128xf32, #tpu.memory_space<hbm>>) target(%arg12 : memref<128x128xf32, #tpu.memory_space<vmem>>) offsets(%dma_start3A_243 : memref<128xi32, #tpu.memory_space<vmem>>) semaphore(%arg18 : memref<!tpu.dma_semaphore, #tpu.memory_space<semaphore_mem>>)
    %dma_start3A_247 = arith.constant 0 : i32
    %dma_start3A_248 = arith.constant 0 : i32
    %dma_start3A_249 = tpu.memref_slice %arg2[%dma_start3A_247, %dma_start3A_248] : memref<110592x128xf32, #tpu.memory_space<hbm>> -> memref<110592x128xf32, #tpu.memory_space<hbm>>
    tpu.enqueue_indirect_dma source(%dma_start3A_249 : memref<110592x128xf32, #tpu.memory_space<hbm>>) target(%arg13 : memref<128x128xf32, #tpu.memory_space<vmem>>) offsets(%arg8 : memref<128xi32, #tpu.memory_space<vmem>>) semaphore(%arg18 : memref<!tpu.dma_semaphore, #tpu.memory_space<semaphore_mem>>)
    %dma_start3A_250 = arith.constant 0 : i32
    %dma_start3A_251 = arith.constant 0 : i32
    %dma_start3A_252 = tpu.memref_slice %arg3[%dma_start3A_250, %dma_start3A_251] : memref<3072x128xf32, #tpu.memory_space<hbm>> -> memref<3072x128xf32, #tpu.memory_space<hbm>>
    tpu.enqueue_indirect_dma source(%dma_start3A_252 : memref<3072x128xf32, #tpu.memory_space<hbm>>) target(%arg14 : memref<128x128xf32, #tpu.memory_space<vmem>>) offsets(%arg10 : memref<128xi32, #tpu.memory_space<vmem>>) semaphore(%arg18 : memref<!tpu.dma_semaphore, #tpu.memory_space<semaphore_mem>>)
    %scan3A = arith.constant 0 : i32
    %scan3A_253 = arith.constant 0 : i32
    %scan3A_254 = arith.constant 100 : i32
    %scan3A_255 = arith.addi %scan3A_253, %scan3A_254 : i32
    %scan3A_256 = arith.constant 1 : i32
    scf.for %scan3A_258 = %scan3A_253 to %scan3A_255 step %scan3A_256  : i32 {
      %mul3A_259 = arith.constant 2 : i32
      %mul3A_260 = arith.muli %mul3A_259, %scan3A_258 : i32
      %add3A_261 = arith.constant 1 : i32
      %add3A_262 = arith.addi %mul3A_260, %add3A_261 : i32
      %mul3A_263 = arith.constant 4 : i32
      %mul3A_264 = arith.muli %mul3A_263, %add3A_262 : i32
      "tpu.region"() ({
        %run_scoped3A = tpu.sem_alloc : memref<!tpu.dma_semaphore, #tpu.memory_space<semaphore_mem>>
        %dma_start3A_573 = arith.constant 0 : i32
        %dma_start3A_574 = tpu.memref_slice %arg4[%add3A, %mul3A_264, %dma_start3A_573] : memref<32x800x128xi32, #tpu.memory_space<hbm>> -> memref<1x4x128xi32, #tpu.memory_space<hbm>>
        %dma_start3A_575 = tpu.memref_squeeze %dma_start3A_574 : memref<1x4x128xi32, #tpu.memory_space<hbm>> -> memref<4x128xi32, #tpu.memory_space<hbm>>
        %dma_start3A_576 = arith.constant 0 : i32
        %dma_start3A_577 = tpu.memref_slice %arg4[%add3A, %mul3A_264, %dma_start3A_576] : memref<32x800x128xi32, #tpu.memory_space<hbm>> -> memref<1x4x128xi32, #tpu.memory_space<hbm>>
        %dma_start3A_578 = tpu.memref_squeeze %dma_start3A_577 : memref<1x4x128xi32, #tpu.memory_space<hbm>> -> memref<4x128xi32, #tpu.memory_space<hbm>>
        tpu.enqueue_dma source(%dma_start3A_578 : memref<4x128xi32, #tpu.memory_space<hbm>>) target(%arg7 : memref<4x128xi32, #tpu.memory_space<vmem>>) target_semaphore(%run_scoped3A : memref<!tpu.dma_semaphore, #tpu.memory_space<semaphore_mem>>)
        %dma_wait3A_579 = arith.constant 0 : i32
        %dma_wait3A_580 = tpu.memref_slice %arg4[%add3A, %mul3A_264, %dma_wait3A_579] : memref<32x800x128xi32, #tpu.memory_space<hbm>> -> memref<1x4x128xi32, #tpu.memory_space<hbm>>
        %dma_wait3A_581 = tpu.memref_squeeze %dma_wait3A_580 : memref<1x4x128xi32, #tpu.memory_space<hbm>> -> memref<4x128xi32, #tpu.memory_space<hbm>>
        %dma_wait3A_582 = arith.constant 0 : i32
        %dma_wait3A_583 = tpu.memref_slice %arg4[%add3A, %mul3A_264, %dma_wait3A_582] : memref<32x800x128xi32, #tpu.memory_space<hbm>> -> memref<1x4x128xi32, #tpu.memory_space<hbm>>
        %dma_wait3A_584 = tpu.memref_squeeze %dma_wait3A_583 : memref<1x4x128xi32, #tpu.memory_space<hbm>> -> memref<4x128xi32, #tpu.memory_space<hbm>>
        tpu.wait_dma2 semaphore(%run_scoped3A : memref<!tpu.dma_semaphore, #tpu.memory_space<semaphore_mem>>) src(%dma_wait3A_584 : memref<4x128xi32, #tpu.memory_space<hbm>>) dst(%arg7 : memref<4x128xi32, #tpu.memory_space<vmem>>)
        tpu.yield
      }) : () -> ()
      %get3A_265 = arith.constant 1 : i32
      %get3A_266 = arith.index_cast %get3A_265 : i32 to index
      %get3A_267 = arith.constant 0 : index
      %get3A_268 = tpu.vector_load %arg7[%get3A_266, %get3A_267] {strides = array<i32>} : memref<4x128xi32, #tpu.memory_space<vmem>>, vector<1x16xi32>,
      %get3A_269 = vector.shape_cast %get3A_268 : vector<1x16xi32> to vector<16xi32>
      %add3A_270 = arith.constant 10240 : i32
      %add3A_271 = vector.broadcast %add3A_270 : i32 to vector<16xi32>
      %add3A_272 = arith.addi %get3A_269, %add3A_271 : vector<16xi32>
      %swap3A_273 = arith.constant 0 : index
      %swap3A_274 = tpu.vector_load %arg9[%swap3A_273] {strides = array<i32>} : memref<128xi32, #tpu.memory_space<vmem>>, vector<16xi32>,
      %swap3A_275 = vector.shape_cast %swap3A_274 : vector<16xi32> to vector<16xi32>
      %swap3A_276 = vector.shape_cast %add3A_272 : vector<16xi32> to vector<16xi32>
      tpu.vector_store %arg9[%swap3A_273], %swap3A_276 {strides = array<i32>} : memref<128xi32, #tpu.memory_space<vmem>>, vector<16xi32>,
      %get3A_277 = arith.constant 2 : i32
      %get3A_278 = arith.index_cast %get3A_277 : i32 to index
      %get3A_279 = arith.constant 0 : index
      %get3A_280 = tpu.vector_load %arg7[%get3A_278, %get3A_279] {strides = array<i32>} : memref<4x128xi32, #tpu.memory_space<vmem>>, vector<1x16xi32>,
      %get3A_281 = vector.shape_cast %get3A_280 : vector<1x16xi32> to vector<16xi32>
      %mul3A_282 = arith.constant 3 : i32
      %mul3A_283 = vector.broadcast %mul3A_282 : i32 to vector<16xi32>
      %mul3A_284 = arith.muli %get3A_281, %mul3A_283 : vector<16xi32>
      %get3A_285 = arith.constant 3 : i32
      %get3A_286 = arith.index_cast %get3A_285 : i32 to index
      %get3A_287 = arith.constant 0 : index
      %get3A_288 = tpu.vector_load %arg7[%get3A_286, %get3A_287] {strides = array<i32>} : memref<4x128xi32, #tpu.memory_space<vmem>>, vector<1x16xi32>,
      %get3A_289 = vector.shape_cast %get3A_288 : vector<1x16xi32> to vector<16xi32>
      %add3A_290 = arith.addi %mul3A_284, %get3A_289 : vector<16xi32>
      %swap3A_291 = arith.constant 0 : index
      %swap3A_292 = tpu.vector_load %arg11[%swap3A_291] {strides = array<i32>} : memref<128xi32, #tpu.memory_space<vmem>>, vector<16xi32>,
      %swap3A_293 = vector.shape_cast %swap3A_292 : vector<16xi32> to vector<16xi32>
      %swap3A_294 = vector.shape_cast %add3A_290 : vector<16xi32> to vector<16xi32>
      tpu.vector_store %arg11[%swap3A_291], %swap3A_294 {strides = array<i32>} : memref<128xi32, #tpu.memory_space<vmem>>, vector<16xi32>,
      %get3A_295 = arith.constant 1 : i32
      %get3A_296 = arith.index_cast %get3A_295 : i32 to index
      %get3A_297 = arith.constant 16 : index
      %get3A_298 = tpu.vector_load %arg7[%get3A_296, %get3A_297] {strides = array<i32>} : memref<4x128xi32, #tpu.memory_space<vmem>>, vector<1x16xi32>,
      %get3A_299 = vector.shape_cast %get3A_298 : vector<1x16xi32> to vector<16xi32>
      %add3A_300 = arith.constant 10240 : i32
      %add3A_301 = vector.broadcast %add3A_300 : i32 to vector<16xi32>
      %add3A_302 = arith.addi %get3A_299, %add3A_301 : vector<16xi32>
      %swap3A_303 = arith.constant 16 : index
      %swap3A_304 = tpu.vector_load %arg9[%swap3A_303] {strides = array<i32>} : memref<128xi32, #tpu.memory_space<vmem>>, vector<16xi32>,
      %swap3A_305 = vector.shape_cast %swap3A_304 : vector<16xi32> to vector<16xi32>
      %swap3A_306 = vector.shape_cast %add3A_302 : vector<16xi32> to vector<16xi32>
      tpu.vector_store %arg9[%swap3A_303], %swap3A_306 {strides = array<i32>} : memref<128xi32, #tpu.memory_space<vmem>>, vector<16xi32>,
      %get3A_307 = arith.constant 2 : i32
      %get3A_308 = arith.index_cast %get3A_307 : i32 to index
      %get3A_309 = arith.constant 16 : index
      %get3A_310 = tpu.vector_load %arg7[%get3A_308, %get3A_309] {strides = array<i32>} : memref<4x128xi32, #tpu.memory_space<vmem>>, vector<1x16xi32>,
      %get3A_311 = vector.shape_cast %get3A_310 : vector<1x16xi32> to vector<16xi32>
      %mul3A_312 = arith.constant 3 : i32
      %mul3A_313 = vector.broadcast %mul3A_312 : i32 to vector<16xi32>
      %mul3A_314 = arith.muli %get3A_311, %mul3A_313 : vector<16xi32>
      %get3A_315 = arith.constant 3 : i32
      %get3A_316 = arith.index_cast %get3A_315 : i32 to index
      %get3A_317 = arith.constant 16 : index
      %get3A_318 = tpu.vector_load %arg7[%get3A_316, %get3A_317] {strides = array<i32>} : memref<4x128xi32, #tpu.memory_space<vmem>>, vector<1x16xi32>,
      %get3A_319 = vector.shape_cast %get3A_318 : vector<1x16xi32> to vector<16xi32>
      %add3A_320 = arith.addi %mul3A_314, %get3A_319 : vector<16xi32>
      %swap3A_321 = arith.constant 16 : index
      %swap3A_322 = tpu.vector_load %arg11[%swap3A_321] {strides = array<i32>} : memref<128xi32, #tpu.memory_space<vmem>>, vector<16xi32>,
      %swap3A_323 = vector.shape_cast %swap3A_322 : vector<16xi32> to vector<16xi32>
      %swap3A_324 = vector.shape_cast %add3A_320 : vector<16xi32> to vector<16xi32>
      tpu.vector_store %arg11[%swap3A_321], %swap3A_324 {strides = array<i32>} : memref<128xi32, #tpu.memory_space<vmem>>, vector<16xi32>,
      %get3A_325 = arith.constant 1 : i32
      %get3A_326 = arith.index_cast %get3A_325 : i32 to index
      %get3A_327 = arith.constant 32 : index
      %get3A_328 = tpu.vector_load %arg7[%get3A_326, %get3A_327] {strides = array<i32>} : memref<4x128xi32, #tpu.memory_space<vmem>>, vector<1x16xi32>,
      %get3A_329 = vector.shape_cast %get3A_328 : vector<1x16xi32> to vector<16xi32>
      %add3A_330 = arith.constant 10240 : i32
      %add3A_331 = vector.broadcast %add3A_330 : i32 to vector<16xi32>
      %add3A_332 = arith.addi %get3A_329, %add3A_331 : vector<16xi32>
      %swap3A_333 = arith.constant 32 : index
      %swap3A_334 = tpu.vector_load %arg9[%swap3A_333] {strides = array<i32>} : memref<128xi32, #tpu.memory_space<vmem>>, vector<16xi32>,
      %swap3A_335 = vector.shape_cast %swap3A_334 : vector<16xi32> to vector<16xi32>
      %swap3A_336 = vector.shape_cast %add3A_332 : vector<16xi32> to vector<16xi32>
      tpu.vector_store %arg9[%swap3A_333], %swap3A_336 {strides = array<i32>} : memref<128xi32, #tpu.memory_space<vmem>>, vector<16xi32>,
      %get3A_337 = arith.constant 2 : i32
      %get3A_338 = arith.index_cast %get3A_337 : i32 to index
      %get3A_339 = arith.constant 32 : index
      %get3A_340 = tpu.vector_load %arg7[%get3A_338, %get3A_339] {strides = array<i32>} : memref<4x128xi32, #tpu.memory_space<vmem>>, vector<1x16xi32>,
      %get3A_341 = vector.shape_cast %get3A_340 : vector<1x16xi32> to vector<16xi32>
      %mul3A_342 = arith.constant 3 : i32
      %mul3A_343 = vector.broadcast %mul3A_342 : i32 to vector<16xi32>
      %mul3A_344 = arith.muli %get3A_341, %mul3A_343 : vector<16xi32>
      %get3A_345 = arith.constant 3 : i32
      %get3A_346 = arith.index_cast %get3A_345 : i32 to index
      %get3A_347 = arith.constant 32 : index
      %get3A_348 = tpu.vector_load %arg7[%get3A_346, %get3A_347] {strides = array<i32>} : memref<4x128xi32, #tpu.memory_space<vmem>>, vector<1x16xi32>,
      %get3A_349 = vector.shape_cast %get3A_348 : vector<1x16xi32> to vector<16xi32>
      %add3A_350 = arith.addi %mul3A_344, %get3A_349 : vector<16xi32>
      %swap3A_351 = arith.constant 32 : index
      %swap3A_352 = tpu.vector_load %arg11[%swap3A_351] {strides = array<i32>} : memref<128xi32, #tpu.memory_space<vmem>>, vector<16xi32>,
      %swap3A_353 = vector.shape_cast %swap3A_352 : vector<16xi32> to vector<16xi32>
      %swap3A_354 = vector.shape_cast %add3A_350 : vector<16xi32> to vector<16xi32>
      tpu.vector_store %arg11[%swap3A_351], %swap3A_354 {strides = array<i32>} : memref<128xi32, #tpu.memory_space<vmem>>, vector<16xi32>,
      %get3A_355 = arith.constant 1 : i32
      %get3A_356 = arith.index_cast %get3A_355 : i32 to index
      %get3A_357 = arith.constant 48 : index
      %get3A_358 = tpu.vector_load %arg7[%get3A_356, %get3A_357] {strides = array<i32>} : memref<4x128xi32, #tpu.memory_space<vmem>>, vector<1x16xi32>,
      %get3A_359 = vector.shape_cast %get3A_358 : vector<1x16xi32> to vector<16xi32>
      %add3A_360 = arith.constant 10240 : i32
      %add3A_361 = vector.broadcast %add3A_360 : i32 to vector<16xi32>
      %add3A_362 = arith.addi %get3A_359, %add3A_361 : vector<16xi32>
      %swap3A_363 = arith.constant 48 : index
      %swap3A_364 = tpu.vector_load %arg9[%swap3A_363] {strides = array<i32>} : memref<128xi32, #tpu.memory_space<vmem>>, vector<16xi32>,
      %swap3A_365 = vector.shape_cast %swap3A_364 : vector<16xi32> to vector<16xi32>
      %swap3A_366 = vector.shape_cast %add3A_362 : vector<16xi32> to vector<16xi32>
      tpu.vector_store %arg9[%swap3A_363], %swap3A_366 {strides = array<i32>} : memref<128xi32, #tpu.memory_space<vmem>>, vector<16xi32>,
      %get3A_367 = arith.constant 2 : i32
      %get3A_368 = arith.index_cast %get3A_367 : i32 to index
      %get3A_369 = arith.constant 48 : index
      %get3A_370 = tpu.vector_load %arg7[%get3A_368, %get3A_369] {strides = array<i32>} : memref<4x128xi32, #tpu.memory_space<vmem>>, vector<1x16xi32>,
      %get3A_371 = vector.shape_cast %get3A_370 : vector<1x16xi32> to vector<16xi32>
      %mul3A_372 = arith.constant 3 : i32
      %mul3A_373 = vector.broadcast %mul3A_372 : i32 to vector<16xi32>
      %mul3A_374 = arith.muli %get3A_371, %mul3A_373 : vector<16xi32>
      %get3A_375 = arith.constant 3 : i32
      %get3A_376 = arith.index_cast %get3A_375 : i32 to index
      %get3A_377 = arith.constant 48 : index
      %get3A_378 = tpu.vector_load %arg7[%get3A_376, %get3A_377] {strides = array<i32>} : memref<4x128xi32, #tpu.memory_space<vmem>>, vector<1x16xi32>,
      %get3A_379 = vector.shape_cast %get3A_378 : vector<1x16xi32> to vector<16xi32>
      %add3A_380 = arith.addi %mul3A_374, %get3A_379 : vector<16xi32>
      %swap3A_381 = arith.constant 48 : index
      %swap3A_382 = tpu.vector_load %arg11[%swap3A_381] {strides = array<i32>} : memref<128xi32, #tpu.memory_space<vmem>>, vector<16xi32>,
      %swap3A_383 = vector.shape_cast %swap3A_382 : vector<16xi32> to vector<16xi32>
      %swap3A_384 = vector.shape_cast %add3A_380 : vector<16xi32> to vector<16xi32>
      tpu.vector_store %arg11[%swap3A_381], %swap3A_384 {strides = array<i32>} : memref<128xi32, #tpu.memory_space<vmem>>, vector<16xi32>,
      %get3A_385 = arith.constant 1 : i32
      %get3A_386 = arith.index_cast %get3A_385 : i32 to index
      %get3A_387 = arith.constant 64 : index
      %get3A_388 = tpu.vector_load %arg7[%get3A_386, %get3A_387] {strides = array<i32>} : memref<4x128xi32, #tpu.memory_space<vmem>>, vector<1x16xi32>,
      %get3A_389 = vector.shape_cast %get3A_388 : vector<1x16xi32> to vector<16xi32>
      %add3A_390 = arith.constant 10240 : i32
      %add3A_391 = vector.broadcast %add3A_390 : i32 to vector<16xi32>
      %add3A_392 = arith.addi %get3A_389, %add3A_391 : vector<16xi32>
      %swap3A_393 = arith.constant 64 : index
      %swap3A_394 = tpu.vector_load %arg9[%swap3A_393] {strides = array<i32>} : memref<128xi32, #tpu.memory_space<vmem>>, vector<16xi32>,
      %swap3A_395 = vector.shape_cast %swap3A_394 : vector<16xi32> to vector<16xi32>
      %swap3A_396 = vector.shape_cast %add3A_392 : vector<16xi32> to vector<16xi32>
      tpu.vector_store %arg9[%swap3A_393], %swap3A_396 {strides = array<i32>} : memref<128xi32, #tpu.memory_space<vmem>>, vector<16xi32>,
      %get3A_397 = arith.constant 2 : i32
      %get3A_398 = arith.index_cast %get3A_397 : i32 to index
      %get3A_399 = arith.constant 64 : index
      %get3A_400 = tpu.vector_load %arg7[%get3A_398, %get3A_399] {strides = array<i32>} : memref<4x128xi32, #tpu.memory_space<vmem>>, vector<1x16xi32>,
      %get3A_401 = vector.shape_cast %get3A_400 : vector<1x16xi32> to vector<16xi32>
      %mul3A_402 = arith.constant 3 : i32
      %mul3A_403 = vector.broadcast %mul3A_402 : i32 to vector<16xi32>
      %mul3A_404 = arith.muli %get3A_401, %mul3A_403 : vector<16xi32>
      %get3A_405 = arith.constant 3 : i32
      %get3A_406 = arith.index_cast %get3A_405 : i32 to index
      %get3A_407 = arith.constant 64 : index
      %get3A_408 = tpu.vector_load %arg7[%get3A_406, %get3A_407] {strides = array<i32>} : memref<4x128xi32, #tpu.memory_space<vmem>>, vector<1x16xi32>,
      %get3A_409 = vector.shape_cast %get3A_408 : vector<1x16xi32> to vector<16xi32>
      %add3A_410 = arith.addi %mul3A_404, %get3A_409 : vector<16xi32>
      %swap3A_411 = arith.constant 64 : index
      %swap3A_412 = tpu.vector_load %arg11[%swap3A_411] {strides = array<i32>} : memref<128xi32, #tpu.memory_space<vmem>>, vector<16xi32>,
      %swap3A_413 = vector.shape_cast %swap3A_412 : vector<16xi32> to vector<16xi32>
      %swap3A_414 = vector.shape_cast %add3A_410 : vector<16xi32> to vector<16xi32>
      tpu.vector_store %arg11[%swap3A_411], %swap3A_414 {strides = array<i32>} : memref<128xi32, #tpu.memory_space<vmem>>, vector<16xi32>,
      %get3A_415 = arith.constant 1 : i32
      %get3A_416 = arith.index_cast %get3A_415 : i32 to index
      %get3A_417 = arith.constant 80 : index
      %get3A_418 = tpu.vector_load %arg7[%get3A_416, %get3A_417] {strides = array<i32>} : memref<4x128xi32, #tpu.memory_space<vmem>>, vector<1x16xi32>,
      %get3A_419 = vector.shape_cast %get3A_418 : vector<1x16xi32> to vector<16xi32>
      %add3A_420 = arith.constant 10240 : i32
      %add3A_421 = vector.broadcast %add3A_420 : i32 to vector<16xi32>
      %add3A_422 = arith.addi %get3A_419, %add3A_421 : vector<16xi32>
      %swap3A_423 = arith.constant 80 : index
      %swap3A_424 = tpu.vector_load %arg9[%swap3A_423] {strides = array<i32>} : memref<128xi32, #tpu.memory_space<vmem>>, vector<16xi32>,
      %swap3A_425 = vector.shape_cast %swap3A_424 : vector<16xi32> to vector<16xi32>
      %swap3A_426 = vector.shape_cast %add3A_422 : vector<16xi32> to vector<16xi32>
      tpu.vector_store %arg9[%swap3A_423], %swap3A_426 {strides = array<i32>} : memref<128xi32, #tpu.memory_space<vmem>>, vector<16xi32>,
      %get3A_427 = arith.constant 2 : i32
      %get3A_428 = arith.index_cast %get3A_427 : i32 to index
      %get3A_429 = arith.constant 80 : index
      %get3A_430 = tpu.vector_load %arg7[%get3A_428, %get3A_429] {strides = array<i32>} : memref<4x128xi32, #tpu.memory_space<vmem>>, vector<1x16xi32>,
      %get3A_431 = vector.shape_cast %get3A_430 : vector<1x16xi32> to vector<16xi32>
      %mul3A_432 = arith.constant 3 : i32
      %mul3A_433 = vector.broadcast %mul3A_432 : i32 to vector<16xi32>
      %mul3A_434 = arith.muli %get3A_431, %mul3A_433 : vector<16xi32>
      %get3A_435 = arith.constant 3 : i32
      %get3A_436 = arith.index_cast %get3A_435 : i32 to index
      %get3A_437 = arith.constant 80 : index
      %get3A_438 = tpu.vector_load %arg7[%get3A_436, %get3A_437] {strides = array<i32>} : memref<4x128xi32, #tpu.memory_space<vmem>>, vector<1x16xi32>,
      %get3A_439 = vector.shape_cast %get3A_438 : vector<1x16xi32> to vector<16xi32>
      %add3A_440 = arith.addi %mul3A_434, %get3A_439 : vector<16xi32>
      %swap3A_441 = arith.constant 80 : index
      %swap3A_442 = tpu.vector_load %arg11[%swap3A_441] {strides = array<i32>} : memref<128xi32, #tpu.memory_space<vmem>>, vector<16xi32>,
      %swap3A_443 = vector.shape_cast %swap3A_442 : vector<16xi32> to vector<16xi32>
      %swap3A_444 = vector.shape_cast %add3A_440 : vector<16xi32> to vector<16xi32>
      tpu.vector_store %arg11[%swap3A_441], %swap3A_444 {strides = array<i32>} : memref<128xi32, #tpu.memory_space<vmem>>, vector<16xi32>,
      %get3A_445 = arith.constant 1 : i32
      %get3A_446 = arith.index_cast %get3A_445 : i32 to index
      %get3A_447 = arith.constant 96 : index
      %get3A_448 = tpu.vector_load %arg7[%get3A_446, %get3A_447] {strides = array<i32>} : memref<4x128xi32, #tpu.memory_space<vmem>>, vector<1x16xi32>,
      %get3A_449 = vector.shape_cast %get3A_448 : vector<1x16xi32> to vector<16xi32>
      %add3A_450 = arith.constant 10240 : i32
      %add3A_451 = vector.broadcast %add3A_450 : i32 to vector<16xi32>
      %add3A_452 = arith.addi %get3A_449, %add3A_451 : vector<16xi32>
      %swap3A_453 = arith.constant 96 : index
      %swap3A_454 = tpu.vector_load %arg9[%swap3A_453] {strides = array<i32>} : memref<128xi32, #tpu.memory_space<vmem>>, vector<16xi32>,
      %swap3A_455 = vector.shape_cast %swap3A_454 : vector<16xi32> to vector<16xi32>
      %swap3A_456 = vector.shape_cast %add3A_452 : vector<16xi32> to vector<16xi32>
      tpu.vector_store %arg9[%swap3A_453], %swap3A_456 {strides = array<i32>} : memref<128xi32, #tpu.memory_space<vmem>>, vector<16xi32>,
      %get3A_457 = arith.constant 2 : i32
      %get3A_458 = arith.index_cast %get3A_457 : i32 to index
      %get3A_459 = arith.constant 96 : index
      %get3A_460 = tpu.vector_load %arg7[%get3A_458, %get3A_459] {strides = array<i32>} : memref<4x128xi32, #tpu.memory_space<vmem>>, vector<1x16xi32>,
      %get3A_461 = vector.shape_cast %get3A_460 : vector<1x16xi32> to vector<16xi32>
      %mul3A_462 = arith.constant 3 : i32
      %mul3A_463 = vector.broadcast %mul3A_462 : i32 to vector<16xi32>
      %mul3A_464 = arith.muli %get3A_461, %mul3A_463 : vector<16xi32>
      %get3A_465 = arith.constant 3 : i32
      %get3A_466 = arith.index_cast %get3A_465 : i32 to index
      %get3A_467 = arith.constant 96 : index
      %get3A_468 = tpu.vector_load %arg7[%get3A_466, %get3A_467] {strides = array<i32>} : memref<4x128xi32, #tpu.memory_space<vmem>>, vector<1x16xi32>,
      %get3A_469 = vector.shape_cast %get3A_468 : vector<1x16xi32> to vector<16xi32>
      %add3A_470 = arith.addi %mul3A_464, %get3A_469 : vector<16xi32>
      %swap3A_471 = arith.constant 96 : index
      %swap3A_472 = tpu.vector_load %arg11[%swap3A_471] {strides = array<i32>} : memref<128xi32, #tpu.memory_space<vmem>>, vector<16xi32>,
      %swap3A_473 = vector.shape_cast %swap3A_472 : vector<16xi32> to vector<16xi32>
      %swap3A_474 = vector.shape_cast %add3A_470 : vector<16xi32> to vector<16xi32>
      tpu.vector_store %arg11[%swap3A_471], %swap3A_474 {strides = array<i32>} : memref<128xi32, #tpu.memory_space<vmem>>, vector<16xi32>,
      %get3A_475 = arith.constant 1 : i32
      %get3A_476 = arith.index_cast %get3A_475 : i32 to index
      %get3A_477 = arith.constant 112 : index
      %get3A_478 = tpu.vector_load %arg7[%get3A_476, %get3A_477] {strides = array<i32>} : memref<4x128xi32, #tpu.memory_space<vmem>>, vector<1x16xi32>,
      %get3A_479 = vector.shape_cast %get3A_478 : vector<1x16xi32> to vector<16xi32>
      %add3A_480 = arith.constant 10240 : i32
      %add3A_481 = vector.broadcast %add3A_480 : i32 to vector<16xi32>
      %add3A_482 = arith.addi %get3A_479, %add3A_481 : vector<16xi32>
      %swap3A_483 = arith.constant 112 : index
      %swap3A_484 = tpu.vector_load %arg9[%swap3A_483] {strides = array<i32>} : memref<128xi32, #tpu.memory_space<vmem>>, vector<16xi32>,
      %swap3A_485 = vector.shape_cast %swap3A_484 : vector<16xi32> to vector<16xi32>
      %swap3A_486 = vector.shape_cast %add3A_482 : vector<16xi32> to vector<16xi32>
      tpu.vector_store %arg9[%swap3A_483], %swap3A_486 {strides = array<i32>} : memref<128xi32, #tpu.memory_space<vmem>>, vector<16xi32>,
      %get3A_487 = arith.constant 2 : i32
      %get3A_488 = arith.index_cast %get3A_487 : i32 to index
      %get3A_489 = arith.constant 112 : index
      %get3A_490 = tpu.vector_load %arg7[%get3A_488, %get3A_489] {strides = array<i32>} : memref<4x128xi32, #tpu.memory_space<vmem>>, vector<1x16xi32>,
      %get3A_491 = vector.shape_cast %get3A_490 : vector<1x16xi32> to vector<16xi32>
      %mul3A_492 = arith.constant 3 : i32
      %mul3A_493 = vector.broadcast %mul3A_492 : i32 to vector<16xi32>
      %mul3A_494 = arith.muli %get3A_491, %mul3A_493 : vector<16xi32>
      %get3A_495 = arith.constant 3 : i32
      %get3A_496 = arith.index_cast %get3A_495 : i32 to index
      %get3A_497 = arith.constant 112 : index
      %get3A_498 = tpu.vector_load %arg7[%get3A_496, %get3A_497] {strides = array<i32>} : memref<4x128xi32, #tpu.memory_space<vmem>>, vector<1x16xi32>,
      %get3A_499 = vector.shape_cast %get3A_498 : vector<1x16xi32> to vector<16xi32>
      %add3A_500 = arith.addi %mul3A_494, %get3A_499 : vector<16xi32>
      %swap3A_501 = arith.constant 112 : index
      %swap3A_502 = tpu.vector_load %arg11[%swap3A_501] {strides = array<i32>} : memref<128xi32, #tpu.memory_space<vmem>>, vector<16xi32>,
      %swap3A_503 = vector.shape_cast %swap3A_502 : vector<16xi32> to vector<16xi32>
      %swap3A_504 = vector.shape_cast %add3A_500 : vector<16xi32> to vector<16xi32>
      tpu.vector_store %arg11[%swap3A_501], %swap3A_504 {strides = array<i32>} : memref<128xi32, #tpu.memory_space<vmem>>, vector<16xi32>,
      %dma_start3A_505 = arith.constant 0 : i32
      %dma_start3A_506 = arith.constant 0 : i32
      %dma_start3A_507 = tpu.memref_slice %arg7[%dma_start3A_505, %dma_start3A_506] : memref<4x128xi32, #tpu.memory_space<vmem>> -> memref<1x128xi32, #tpu.memory_space<vmem>>
      %dma_start3A_508 = tpu.memref_squeeze %dma_start3A_507 : memref<1x128xi32, #tpu.memory_space<vmem>> -> memref<128xi32, #tpu.memory_space<vmem>>
      %dma_start3A_509 = arith.constant 0 : i32
      %dma_start3A_510 = arith.constant 0 : i32
      %dma_start3A_511 = tpu.memref_slice %arg2[%dma_start3A_509, %dma_start3A_510] : memref<110592x128xf32, #tpu.memory_space<hbm>> -> memref<110592x128xf32, #tpu.memory_space<hbm>>
      tpu.enqueue_indirect_dma source(%dma_start3A_511 : memref<110592x128xf32, #tpu.memory_space<hbm>>) target(%arg15 : memref<128x128xf32, #tpu.memory_space<vmem>>) offsets(%dma_start3A_508 : memref<128xi32, #tpu.memory_space<vmem>>) semaphore(%arg19 : memref<!tpu.dma_semaphore, #tpu.memory_space<semaphore_mem>>)
      %dma_start3A_512 = arith.constant 0 : i32
      %dma_start3A_513 = arith.constant 0 : i32
      %dma_start3A_514 = tpu.memref_slice %arg2[%dma_start3A_512, %dma_start3A_513] : memref<110592x128xf32, #tpu.memory_space<hbm>> -> memref<110592x128xf32, #tpu.memory_space<hbm>>
      tpu.enqueue_indirect_dma source(%dma_start3A_514 : memref<110592x128xf32, #tpu.memory_space<hbm>>) target(%arg16 : memref<128x128xf32, #tpu.memory_space<vmem>>) offsets(%arg9 : memref<128xi32, #tpu.memory_space<vmem>>) semaphore(%arg19 : memref<!tpu.dma_semaphore, #tpu.memory_space<semaphore_mem>>)
      %dma_start3A_515 = arith.constant 0 : i32
      %dma_start3A_516 = arith.constant 0 : i32
      %dma_start3A_517 = tpu.memref_slice %arg3[%dma_start3A_515, %dma_start3A_516] : memref<3072x128xf32, #tpu.memory_space<hbm>> -> memref<3072x128xf32, #tpu.memory_space<hbm>>
      tpu.enqueue_indirect_dma source(%dma_start3A_517 : memref<3072x128xf32, #tpu.memory_space<hbm>>) target(%arg17 : memref<128x128xf32, #tpu.memory_space<vmem>>) offsets(%arg11 : memref<128xi32, #tpu.memory_space<vmem>>) semaphore(%arg19 : memref<!tpu.dma_semaphore, #tpu.memory_space<semaphore_mem>>)
      %dma_wait3A = arith.constant 0 : i32
      %dma_wait3A_518 = arith.constant 0 : i32
      %dma_wait3A_519 = tpu.memref_slice %arg2[%dma_wait3A, %dma_wait3A_518] : memref<110592x128xf32, #tpu.memory_space<hbm>> -> memref<128x128xf32, #tpu.memory_space<hbm>>
      %dma_wait3A_520 = arith.constant 0 : i32
      %dma_wait3A_521 = arith.constant 0 : i32
      %dma_wait3A_522 = tpu.memref_slice %arg2[%dma_wait3A_520, %dma_wait3A_521] : memref<110592x128xf32, #tpu.memory_space<hbm>> -> memref<128x128xf32, #tpu.memory_space<hbm>>
      tpu.wait_dma2 semaphore(%arg18 : memref<!tpu.dma_semaphore, #tpu.memory_space<semaphore_mem>>) src(%dma_wait3A_522 : memref<128x128xf32, #tpu.memory_space<hbm>>) dst(%arg12 : memref<128x128xf32, #tpu.memory_space<vmem>>)
      %dma_wait3A_523 = arith.constant 0 : i32
      %dma_wait3A_524 = arith.constant 0 : i32
      %dma_wait3A_525 = tpu.memref_slice %arg2[%dma_wait3A_523, %dma_wait3A_524] : memref<110592x128xf32, #tpu.memory_space<hbm>> -> memref<128x128xf32, #tpu.memory_space<hbm>>
      %dma_wait3A_526 = arith.constant 0 : i32
      %dma_wait3A_527 = arith.constant 0 : i32
      %dma_wait3A_528 = tpu.memref_slice %arg2[%dma_wait3A_526, %dma_wait3A_527] : memref<110592x128xf32, #tpu.memory_space<hbm>> -> memref<128x128xf32, #tpu.memory_space<hbm>>
      tpu.wait_dma2 semaphore(%arg18 : memref<!tpu.dma_semaphore, #tpu.memory_space<semaphore_mem>>) src(%dma_wait3A_528 : memref<128x128xf32, #tpu.memory_space<hbm>>) dst(%arg13 : memref<128x128xf32, #tpu.memory_space<vmem>>)
      %dma_wait3A_529 = arith.constant 0 : i32
      %dma_wait3A_530 = arith.constant 0 : i32
      %dma_wait3A_531 = tpu.memref_slice %arg2[%dma_wait3A_529, %dma_wait3A_530] : memref<110592x128xf32, #tpu.memory_space<hbm>> -> memref<128x128xf32, #tpu.memory_space<hbm>>
      %dma_wait3A_532 = arith.constant 0 : i32
      %dma_wait3A_533 = arith.constant 0 : i32
      %dma_wait3A_534 = tpu.memref_slice %arg2[%dma_wait3A_532, %dma_wait3A_533] : memref<110592x128xf32, #tpu.memory_space<hbm>> -> memref<128x128xf32, #tpu.memory_space<hbm>>
      tpu.wait_dma2 semaphore(%arg18 : memref<!tpu.dma_semaphore, #tpu.memory_space<semaphore_mem>>) src(%dma_wait3A_534 : memref<128x128xf32, #tpu.memory_space<hbm>>) dst(%arg14 : memref<128x128xf32, #tpu.memory_space<vmem>>)
      %scan3A_535 = arith.constant 0 : i32
      %scan3A_536 = arith.constant 0 : i32
      %scan3A_537 = arith.constant 128 : i32
      %scan3A_538 = arith.addi %scan3A_536, %scan3A_537 : i32
      %scan3A_539 = arith.constant 1 : i32
      scf.for %scan3A_573 = %scan3A_536 to %scan3A_538 step %scan3A_539  : i32 {
        %get3A_574 = arith.index_cast %scan3A_573 : i32 to index
        %get3A_575 = arith.constant 0 : index
        %get3A_576 = tpu.vector_load %arg12[%get3A_574, %get3A_575] {strides = array<i32>} : memref<128x128xf32, #tpu.memory_space<vmem>>, vector<1x16xf32>,
        %get3A_577 = vector.shape_cast %get3A_576 : vector<1x16xf32> to vector<16xf32>
        %get3A_578 = arith.index_cast %scan3A_573 : i32 to index
        %get3A_579 = arith.constant 0 : index
        %get3A_580 = tpu.vector_load %arg13[%get3A_578, %get3A_579] {strides = array<i32>} : memref<128x128xf32, #tpu.memory_space<vmem>>, vector<1x16xf32>,
        %get3A_581 = vector.shape_cast %get3A_580 : vector<1x16xf32> to vector<16xf32>
        %add3A_582 = arith.addf %get3A_577, %get3A_581 : vector<16xf32>
        %get3A_583 = arith.index_cast %scan3A_573 : i32 to index
        %get3A_584 = arith.constant 0 : index
        %get3A_585 = tpu.vector_load %arg14[%get3A_583, %get3A_584] {strides = array<i32>} : memref<128x128xf32, #tpu.memory_space<vmem>>, vector<1x16xf32>,
        %get3A_586 = vector.shape_cast %get3A_585 : vector<1x16xf32> to vector<16xf32>
        %add3A_587 = arith.addf %add3A_582, %get3A_586 : vector<16xf32>
        %swap3A_588 = arith.index_cast %scan3A_573 : i32 to index
        %swap3A_589 = arith.constant 0 : index
        %swap3A_590 = tpu.vector_load %arg12[%swap3A_588, %swap3A_589] {strides = array<i32>} : memref<128x128xf32, #tpu.memory_space<vmem>>, vector<1x16xf32>,
        %swap3A_591 = vector.shape_cast %swap3A_590 : vector<1x16xf32> to vector<16xf32>
        %swap3A_592 = vector.shape_cast %add3A_587 : vector<16xf32> to vector<1x16xf32>
        tpu.vector_store %arg12[%swap3A_588, %swap3A_589], %swap3A_592 {strides = array<i32>} : memref<128x128xf32, #tpu.memory_space<vmem>>, vector<1x16xf32>,
        %get3A_593 = arith.index_cast %scan3A_573 : i32 to index
        %get3A_594 = arith.constant 16 : index
        %get3A_595 = tpu.vector_load %arg12[%get3A_593, %get3A_594] {strides = array<i32>} : memref<128x128xf32, #tpu.memory_space<vmem>>, vector<1x16xf32>,
        %get3A_596 = vector.shape_cast %get3A_595 : vector<1x16xf32> to vector<16xf32>
        %get3A_597 = arith.index_cast %scan3A_573 : i32 to index
        %get3A_598 = arith.constant 16 : index
        %get3A_599 = tpu.vector_load %arg13[%get3A_597, %get3A_598] {strides = array<i32>} : memref<128x128xf32, #tpu.memory_space<vmem>>, vector<1x16xf32>,
        %get3A_600 = vector.shape_cast %get3A_599 : vector<1x16xf32> to vector<16xf32>
        %add3A_601 = arith.addf %get3A_596, %get3A_600 : vector<16xf32>
        %get3A_602 = arith.index_cast %scan3A_573 : i32 to index
        %get3A_603 = arith.constant 16 : index
        %get3A_604 = tpu.vector_load %arg14[%get3A_602, %get3A_603] {strides = array<i32>} : memref<128x128xf32, #tpu.memory_space<vmem>>, vector<1x16xf32>,
        %get3A_605 = vector.shape_cast %get3A_604 : vector<1x16xf32> to vector<16xf32>
        %add3A_606 = arith.addf %add3A_601, %get3A_605 : vector<16xf32>
        %swap3A_607 = arith.index_cast %scan3A_573 : i32 to index
        %swap3A_608 = arith.constant 16 : index
        %swap3A_609 = tpu.vector_load %arg12[%swap3A_607, %swap3A_608] {strides = array<i32>} : memref<128x128xf32, #tpu.memory_space<vmem>>, vector<1x16xf32>,
        %swap3A_610 = vector.shape_cast %swap3A_609 : vector<1x16xf32> to vector<16xf32>
        %swap3A_611 = vector.shape_cast %add3A_606 : vector<16xf32> to vector<1x16xf32>
        tpu.vector_store %arg12[%swap3A_607, %swap3A_608], %swap3A_611 {strides = array<i32>} : memref<128x128xf32, #tpu.memory_space<vmem>>, vector<1x16xf32>,
        %get3A_612 = arith.index_cast %scan3A_573 : i32 to index
        %get3A_613 = arith.constant 32 : index
        %get3A_614 = tpu.vector_load %arg12[%get3A_612, %get3A_613] {strides = array<i32>} : memref<128x128xf32, #tpu.memory_space<vmem>>, vector<1x16xf32>,
        %get3A_615 = vector.shape_cast %get3A_614 : vector<1x16xf32> to vector<16xf32>
        %get3A_616 = arith.index_cast %scan3A_573 : i32 to index
        %get3A_617 = arith.constant 32 : index
        %get3A_618 = tpu.vector_load %arg13[%get3A_616, %get3A_617] {strides = array<i32>} : memref<128x128xf32, #tpu.memory_space<vmem>>, vector<1x16xf32>,
        %get3A_619 = vector.shape_cast %get3A_618 : vector<1x16xf32> to vector<16xf32>
        %add3A_620 = arith.addf %get3A_615, %get3A_619 : vector<16xf32>
        %get3A_621 = arith.index_cast %scan3A_573 : i32 to index
        %get3A_622 = arith.constant 32 : index
        %get3A_623 = tpu.vector_load %arg14[%get3A_621, %get3A_622] {strides = array<i32>} : memref<128x128xf32, #tpu.memory_space<vmem>>, vector<1x16xf32>,
        %get3A_624 = vector.shape_cast %get3A_623 : vector<1x16xf32> to vector<16xf32>
        %add3A_625 = arith.addf %add3A_620, %get3A_624 : vector<16xf32>
        %swap3A_626 = arith.index_cast %scan3A_573 : i32 to index
        %swap3A_627 = arith.constant 32 : index
        %swap3A_628 = tpu.vector_load %arg12[%swap3A_626, %swap3A_627] {strides = array<i32>} : memref<128x128xf32, #tpu.memory_space<vmem>>, vector<1x16xf32>,
        %swap3A_629 = vector.shape_cast %swap3A_628 : vector<1x16xf32> to vector<16xf32>
        %swap3A_630 = vector.shape_cast %add3A_625 : vector<16xf32> to vector<1x16xf32>
        tpu.vector_store %arg12[%swap3A_626, %swap3A_627], %swap3A_630 {strides = array<i32>} : memref<128x128xf32, #tpu.memory_space<vmem>>, vector<1x16xf32>,
        %get3A_631 = arith.index_cast %scan3A_573 : i32 to index
        %get3A_632 = arith.constant 48 : index
        %get3A_633 = tpu.vector_load %arg12[%get3A_631, %get3A_632] {strides = array<i32>} : memref<128x128xf32, #tpu.memory_space<vmem>>, vector<1x16xf32>,
        %get3A_634 = vector.shape_cast %get3A_633 : vector<1x16xf32> to vector<16xf32>
        %get3A_635 = arith.index_cast %scan3A_573 : i32 to index
        %get3A_636 = arith.constant 48 : index
        %get3A_637 = tpu.vector_load %arg13[%get3A_635, %get3A_636] {strides = array<i32>} : memref<128x128xf32, #tpu.memory_space<vmem>>, vector<1x16xf32>,
        %get3A_638 = vector.shape_cast %get3A_637 : vector<1x16xf32> to vector<16xf32>
        %add3A_639 = arith.addf %get3A_634, %get3A_638 : vector<16xf32>
        %get3A_640 = arith.index_cast %scan3A_573 : i32 to index
        %get3A_641 = arith.constant 48 : index
        %get3A_642 = tpu.vector_load %arg14[%get3A_640, %get3A_641] {strides = array<i32>} : memref<128x128xf32, #tpu.memory_space<vmem>>, vector<1x16xf32>,
        %get3A_643 = vector.shape_cast %get3A_642 : vector<1x16xf32> to vector<16xf32>
        %add3A_644 = arith.addf %add3A_639, %get3A_643 : vector<16xf32>
        %swap3A_645 = arith.index_cast %scan3A_573 : i32 to index
        %swap3A_646 = arith.constant 48 : index
        %swap3A_647 = tpu.vector_load %arg12[%swap3A_645, %swap3A_646] {strides = array<i32>} : memref<128x128xf32, #tpu.memory_space<vmem>>, vector<1x16xf32>,
        %swap3A_648 = vector.shape_cast %swap3A_647 : vector<1x16xf32> to vector<16xf32>
        %swap3A_649 = vector.shape_cast %add3A_644 : vector<16xf32> to vector<1x16xf32>
        tpu.vector_store %arg12[%swap3A_645, %swap3A_646], %swap3A_649 {strides = array<i32>} : memref<128x128xf32, #tpu.memory_space<vmem>>, vector<1x16xf32>,
        %get3A_650 = arith.index_cast %scan3A_573 : i32 to index
        %get3A_651 = arith.constant 64 : index
        %get3A_652 = tpu.vector_load %arg12[%get3A_650, %get3A_651] {strides = array<i32>} : memref<128x128xf32, #tpu.memory_space<vmem>>, vector<1x16xf32>,
        %get3A_653 = vector.shape_cast %get3A_652 : vector<1x16xf32> to vector<16xf32>
        %get3A_654 = arith.index_cast %scan3A_573 : i32 to index
        %get3A_655 = arith.constant 64 : index
        %get3A_656 = tpu.vector_load %arg13[%get3A_654, %get3A_655] {strides = array<i32>} : memref<128x128xf32, #tpu.memory_space<vmem>>, vector<1x16xf32>,
        %get3A_657 = vector.shape_cast %get3A_656 : vector<1x16xf32> to vector<16xf32>
        %add3A_658 = arith.addf %get3A_653, %get3A_657 : vector<16xf32>
        %get3A_659 = arith.index_cast %scan3A_573 : i32 to index
        %get3A_660 = arith.constant 64 : index
        %get3A_661 = tpu.vector_load %arg14[%get3A_659, %get3A_660] {strides = array<i32>} : memref<128x128xf32, #tpu.memory_space<vmem>>, vector<1x16xf32>,
        %get3A_662 = vector.shape_cast %get3A_661 : vector<1x16xf32> to vector<16xf32>
        %add3A_663 = arith.addf %add3A_658, %get3A_662 : vector<16xf32>
        %swap3A_664 = arith.index_cast %scan3A_573 : i32 to index
        %swap3A_665 = arith.constant 64 : index
        %swap3A_666 = tpu.vector_load %arg12[%swap3A_664, %swap3A_665] {strides = array<i32>} : memref<128x128xf32, #tpu.memory_space<vmem>>, vector<1x16xf32>,
        %swap3A_667 = vector.shape_cast %swap3A_666 : vector<1x16xf32> to vector<16xf32>
        %swap3A_668 = vector.shape_cast %add3A_663 : vector<16xf32> to vector<1x16xf32>
        tpu.vector_store %arg12[%swap3A_664, %swap3A_665], %swap3A_668 {strides = array<i32>} : memref<128x128xf32, #tpu.memory_space<vmem>>, vector<1x16xf32>,
        %get3A_669 = arith.index_cast %scan3A_573 : i32 to index
        %get3A_670 = arith.constant 80 : index
        %get3A_671 = tpu.vector_load %arg12[%get3A_669, %get3A_670] {strides = array<i32>} : memref<128x128xf32, #tpu.memory_space<vmem>>, vector<1x16xf32>,
        %get3A_672 = vector.shape_cast %get3A_671 : vector<1x16xf32> to vector<16xf32>
        %get3A_673 = arith.index_cast %scan3A_573 : i32 to index
        %get3A_674 = arith.constant 80 : index
        %get3A_675 = tpu.vector_load %arg13[%get3A_673, %get3A_674] {strides = array<i32>} : memref<128x128xf32, #tpu.memory_space<vmem>>, vector<1x16xf32>,
        %get3A_676 = vector.shape_cast %get3A_675 : vector<1x16xf32> to vector<16xf32>
        %add3A_677 = arith.addf %get3A_672, %get3A_676 : vector<16xf32>
        %get3A_678 = arith.index_cast %scan3A_573 : i32 to index
        %get3A_679 = arith.constant 80 : index
        %get3A_680 = tpu.vector_load %arg14[%get3A_678, %get3A_679] {strides = array<i32>} : memref<128x128xf32, #tpu.memory_space<vmem>>, vector<1x16xf32>,
        %get3A_681 = vector.shape_cast %get3A_680 : vector<1x16xf32> to vector<16xf32>
        %add3A_682 = arith.addf %add3A_677, %get3A_681 : vector<16xf32>
        %swap3A_683 = arith.index_cast %scan3A_573 : i32 to index
        %swap3A_684 = arith.constant 80 : index
        %swap3A_685 = tpu.vector_load %arg12[%swap3A_683, %swap3A_684] {strides = array<i32>} : memref<128x128xf32, #tpu.memory_space<vmem>>, vector<1x16xf32>,
        %swap3A_686 = vector.shape_cast %swap3A_685 : vector<1x16xf32> to vector<16xf32>
        %swap3A_687 = vector.shape_cast %add3A_682 : vector<16xf32> to vector<1x16xf32>
        tpu.vector_store %arg12[%swap3A_683, %swap3A_684], %swap3A_687 {strides = array<i32>} : memref<128x128xf32, #tpu.memory_space<vmem>>, vector<1x16xf32>,
      }
      %scan3A_540 = arith.constant 128 : i32
      %mul3A_541 = arith.constant 128 : i32
      %mul3A_542 = arith.muli %mul3A_260, %mul3A_541 : i32
      %add3A_543 = arith.addi %mul3A_2, %mul3A_542 : i32
      "tpu.region"() ({
        %run_scoped3A = tpu.sem_alloc : memref<!tpu.dma_semaphore, #tpu.memory_space<semaphore_mem>>
        %dma_start3A_573 = arith.constant 0 : i32
        %dma_start3A_574 = tpu.memref_slice %arg5[%add3A_543, %dma_start3A_573] : memref<819200x128xf32, #tpu.memory_space<hbm>> -> memref<128x128xf32, #tpu.memory_space<hbm>>
        %dma_start3A_575 = arith.constant 0 : i32
        %dma_start3A_576 = tpu.memref_slice %arg5[%add3A_543, %dma_start3A_575] : memref<819200x128xf32, #tpu.memory_space<hbm>> -> memref<128x128xf32, #tpu.memory_space<hbm>>
        tpu.enqueue_dma source(%arg12 : memref<128x128xf32, #tpu.memory_space<vmem>>) target(%dma_start3A_576 : memref<128x128xf32, #tpu.memory_space<hbm>>) target_semaphore(%run_scoped3A : memref<!tpu.dma_semaphore, #tpu.memory_space<semaphore_mem>>)
        %dma_wait3A_577 = arith.constant 0 : i32
        %dma_wait3A_578 = tpu.memref_slice %arg5[%add3A_543, %dma_wait3A_577] : memref<819200x128xf32, #tpu.memory_space<hbm>> -> memref<128x128xf32, #tpu.memory_space<hbm>>
        %dma_wait3A_579 = arith.constant 0 : i32
        %dma_wait3A_580 = tpu.memref_slice %arg5[%add3A_543, %dma_wait3A_579] : memref<819200x128xf32, #tpu.memory_space<hbm>> -> memref<128x128xf32, #tpu.memory_space<hbm>>
        tpu.wait_dma2 semaphore(%run_scoped3A : memref<!tpu.dma_semaphore, #tpu.memory_space<semaphore_mem>>) src(%arg12 : memref<128x128xf32, #tpu.memory_space<vmem>>) dst(%dma_wait3A_580 : memref<128x128xf32, #tpu.memory_space<hbm>>)
        tpu.yield
      }) : () -> ()
      %lt3A = arith.constant 99 : i32
      %lt3A_544 = arith.cmpi slt, %scan3A_258, %lt3A : i32
      %convert_element_type3A = arith.extui %lt3A_544 : i1 to i32
      %cond3A = arith.constant 0 : i32
      %cond3A_545 = arith.cmpi ne, %convert_element_type3A, %cond3A : i32
      scf.if %cond3A_545 {
        %add3A_573 = arith.constant 2 : i32
        %add3A_574 = arith.addi %mul3A_260, %add3A_573 : i32
        %mul3A_575 = arith.constant 4 : i32
        %mul3A_576 = arith.muli %mul3A_575, %add3A_574 : i32
        "tpu.region"() ({
          %run_scoped3A = tpu.sem_alloc : memref<!tpu.dma_semaphore, #tpu.memory_space<semaphore_mem>>
          %dma_start3A_830 = arith.constant 0 : i32
          %dma_start3A_831 = tpu.memref_slice %arg4[%add3A, %mul3A_576, %dma_start3A_830] : memref<32x800x128xi32, #tpu.memory_space<hbm>> -> memref<1x4x128xi32, #tpu.memory_space<hbm>>
          %dma_start3A_832 = tpu.memref_squeeze %dma_start3A_831 : memref<1x4x128xi32, #tpu.memory_space<hbm>> -> memref<4x128xi32, #tpu.memory_space<hbm>>
          %dma_start3A_833 = arith.constant 0 : i32
          %dma_start3A_834 = tpu.memref_slice %arg4[%add3A, %mul3A_576, %dma_start3A_833] : memref<32x800x128xi32, #tpu.memory_space<hbm>> -> memref<1x4x128xi32, #tpu.memory_space<hbm>>
          %dma_start3A_835 = tpu.memref_squeeze %dma_start3A_834 : memref<1x4x128xi32, #tpu.memory_space<hbm>> -> memref<4x128xi32, #tpu.memory_space<hbm>>
          tpu.enqueue_dma source(%dma_start3A_835 : memref<4x128xi32, #tpu.memory_space<hbm>>) target(%arg6 : memref<4x128xi32, #tpu.memory_space<vmem>>) target_semaphore(%run_scoped3A : memref<!tpu.dma_semaphore, #tpu.memory_space<semaphore_mem>>)
          %dma_wait3A_836 = arith.constant 0 : i32
          %dma_wait3A_837 = tpu.memref_slice %arg4[%add3A, %mul3A_576, %dma_wait3A_836] : memref<32x800x128xi32, #tpu.memory_space<hbm>> -> memref<1x4x128xi32, #tpu.memory_space<hbm>>
          %dma_wait3A_838 = tpu.memref_squeeze %dma_wait3A_837 : memref<1x4x128xi32, #tpu.memory_space<hbm>> -> memref<4x128xi32, #tpu.memory_space<hbm>>
          %dma_wait3A_839 = arith.constant 0 : i32
          %dma_wait3A_840 = tpu.memref_slice %arg4[%add3A, %mul3A_576, %dma_wait3A_839] : memref<32x800x128xi32, #tpu.memory_space<hbm>> -> memref<1x4x128xi32, #tpu.memory_space<hbm>>
          %dma_wait3A_841 = tpu.memref_squeeze %dma_wait3A_840 : memref<1x4x128xi32, #tpu.memory_space<hbm>> -> memref<4x128xi32, #tpu.memory_space<hbm>>
          tpu.wait_dma2 semaphore(%run_scoped3A : memref<!tpu.dma_semaphore, #tpu.memory_space<semaphore_mem>>) src(%dma_wait3A_841 : memref<4x128xi32, #tpu.memory_space<hbm>>) dst(%arg6 : memref<4x128xi32, #tpu.memory_space<vmem>>)
          tpu.yield
        }) : () -> ()
        %get3A_577 = arith.constant 1 : i32
        %get3A_578 = arith.index_cast %get3A_577 : i32 to index
        %get3A_579 = arith.constant 0 : index
        %get3A_580 = tpu.vector_load %arg6[%get3A_578, %get3A_579] {strides = array<i32>} : memref<4x128xi32, #tpu.memory_space<vmem>>, vector<1x16xi32>,
        %get3A_581 = vector.shape_cast %get3A_580 : vector<1x16xi32> to vector<16xi32>
        %add3A_582 = arith.constant 10240 : i32
        %add3A_583 = vector.broadcast %add3A_582 : i32 to vector<16xi32>
        %add3A_584 = arith.addi %get3A_581, %add3A_583 : vector<16xi32>
        %swap3A_585 = arith.constant 0 : index
        %swap3A_586 = tpu.vector_load %arg8[%swap3A_585] {strides = array<i32>} : memref<128xi32, #tpu.memory_space<vmem>>, vector<16xi32>,
        %swap3A_587 = vector.shape_cast %swap3A_586 : vector<16xi32> to vector<16xi32>
        %swap3A_588 = vector.shape_cast %add3A_584 : vector<16xi32> to vector<16xi32>
        tpu.vector_store %arg8[%swap3A_585], %swap3A_588 {strides = array<i32>} : memref<128xi32, #tpu.memory_space<vmem>>, vector<16xi32>,
        %get3A_589 = arith.constant 2 : i32
        %get3A_590 = arith.index_cast %get3A_589 : i32 to index
        %get3A_591 = arith.constant 0 : index
        %get3A_592 = tpu.vector_load %arg6[%get3A_590, %get3A_591] {strides = array<i32>} : memref<4x128xi32, #tpu.memory_space<vmem>>, vector<1x16xi32>,
        %get3A_593 = vector.shape_cast %get3A_592 : vector<1x16xi32> to vector<16xi32>
        %mul3A_594 = arith.constant 3 : i32
        %mul3A_595 = vector.broadcast %mul3A_594 : i32 to vector<16xi32>
        %mul3A_596 = arith.muli %get3A_593, %mul3A_595 : vector<16xi32>
        %get3A_597 = arith.constant 3 : i32
        %get3A_598 = arith.index_cast %get3A_597 : i32 to index
        %get3A_599 = arith.constant 0 : index
        %get3A_600 = tpu.vector_load %arg6[%get3A_598, %get3A_599] {strides = array<i32>} : memref<4x128xi32, #tpu.memory_space<vmem>>, vector<1x16xi32>,
        %get3A_601 = vector.shape_cast %get3A_600 : vector<1x16xi32> to vector<16xi32>
        %add3A_602 = arith.addi %mul3A_596, %get3A_601 : vector<16xi32>
        %swap3A_603 = arith.constant 0 : index
        %swap3A_604 = tpu.vector_load %arg10[%swap3A_603] {strides = array<i32>} : memref<128xi32, #tpu.memory_space<vmem>>, vector<16xi32>,
        %swap3A_605 = vector.shape_cast %swap3A_604 : vector<16xi32> to vector<16xi32>
        %swap3A_606 = vector.shape_cast %add3A_602 : vector<16xi32> to vector<16xi32>
        tpu.vector_store %arg10[%swap3A_603], %swap3A_606 {strides = array<i32>} : memref<128xi32, #tpu.memory_space<vmem>>, vector<16xi32>,
        %get3A_607 = arith.constant 1 : i32
        %get3A_608 = arith.index_cast %get3A_607 : i32 to index
        %get3A_609 = arith.constant 16 : index
        %get3A_610 = tpu.vector_load %arg6[%get3A_608, %get3A_609] {strides = array<i32>} : memref<4x128xi32, #tpu.memory_space<vmem>>, vector<1x16xi32>,
        %get3A_611 = vector.shape_cast %get3A_610 : vector<1x16xi32> to vector<16xi32>
        %add3A_612 = arith.constant 10240 : i32
        %add3A_613 = vector.broadcast %add3A_612 : i32 to vector<16xi32>
        %add3A_614 = arith.addi %get3A_611, %add3A_613 : vector<16xi32>
        %swap3A_615 = arith.constant 16 : index
        %swap3A_616 = tpu.vector_load %arg8[%swap3A_615] {strides = array<i32>} : memref<128xi32, #tpu.memory_space<vmem>>, vector<16xi32>,
        %swap3A_617 = vector.shape_cast %swap3A_616 : vector<16xi32> to vector<16xi32>
        %swap3A_618 = vector.shape_cast %add3A_614 : vector<16xi32> to vector<16xi32>
        tpu.vector_store %arg8[%swap3A_615], %swap3A_618 {strides = array<i32>} : memref<128xi32, #tpu.memory_space<vmem>>, vector<16xi32>,
        %get3A_619 = arith.constant 2 : i32
        %get3A_620 = arith.index_cast %get3A_619 : i32 to index
        %get3A_621 = arith.constant 16 : index
        %get3A_622 = tpu.vector_load %arg6[%get3A_620, %get3A_621] {strides = array<i32>} : memref<4x128xi32, #tpu.memory_space<vmem>>, vector<1x16xi32>,
        %get3A_623 = vector.shape_cast %get3A_622 : vector<1x16xi32> to vector<16xi32>
        %mul3A_624 = arith.constant 3 : i32
        %mul3A_625 = vector.broadcast %mul3A_624 : i32 to vector<16xi32>
        %mul3A_626 = arith.muli %get3A_623, %mul3A_625 : vector<16xi32>
        %get3A_627 = arith.constant 3 : i32
        %get3A_628 = arith.index_cast %get3A_627 : i32 to index
        %get3A_629 = arith.constant 16 : index
        %get3A_630 = tpu.vector_load %arg6[%get3A_628, %get3A_629] {strides = array<i32>} : memref<4x128xi32, #tpu.memory_space<vmem>>, vector<1x16xi32>,
        %get3A_631 = vector.shape_cast %get3A_630 : vector<1x16xi32> to vector<16xi32>
        %add3A_632 = arith.addi %mul3A_626, %get3A_631 : vector<16xi32>
        %swap3A_633 = arith.constant 16 : index
        %swap3A_634 = tpu.vector_load %arg10[%swap3A_633] {strides = array<i32>} : memref<128xi32, #tpu.memory_space<vmem>>, vector<16xi32>,
        %swap3A_635 = vector.shape_cast %swap3A_634 : vector<16xi32> to vector<16xi32>
        %swap3A_636 = vector.shape_cast %add3A_632 : vector<16xi32> to vector<16xi32>
        tpu.vector_store %arg10[%swap3A_633], %swap3A_636 {strides = array<i32>} : memref<128xi32, #tpu.memory_space<vmem>>, vector<16xi32>,
        %get3A_637 = arith.constant 1 : i32
        %get3A_638 = arith.index_cast %get3A_637 : i32 to index
        %get3A_639 = arith.constant 32 : index
        %get3A_640 = tpu.vector_load %arg6[%get3A_638, %get3A_639] {strides = array<i32>} : memref<4x128xi32, #tpu.memory_space<vmem>>, vector<1x16xi32>,
        %get3A_641 = vector.shape_cast %get3A_640 : vector<1x16xi32> to vector<16xi32>
        %add3A_642 = arith.constant 10240 : i32
        %add3A_643 = vector.broadcast %add3A_642 : i32 to vector<16xi32>
        %add3A_644 = arith.addi %get3A_641, %add3A_643 : vector<16xi32>
        %swap3A_645 = arith.constant 32 : index
        %swap3A_646 = tpu.vector_load %arg8[%swap3A_645] {strides = array<i32>} : memref<128xi32, #tpu.memory_space<vmem>>, vector<16xi32>,
        %swap3A_647 = vector.shape_cast %swap3A_646 : vector<16xi32> to vector<16xi32>
        %swap3A_648 = vector.shape_cast %add3A_644 : vector<16xi32> to vector<16xi32>
        tpu.vector_store %arg8[%swap3A_645], %swap3A_648 {strides = array<i32>} : memref<128xi32, #tpu.memory_space<vmem>>, vector<16xi32>,
        %get3A_649 = arith.constant 2 : i32
        %get3A_650 = arith.index_cast %get3A_649 : i32 to index
        %get3A_651 = arith.constant 32 : index
        %get3A_652 = tpu.vector_load %arg6[%get3A_650, %get3A_651] {strides = array<i32>} : memref<4x128xi32, #tpu.memory_space<vmem>>, vector<1x16xi32>,
        %get3A_653 = vector.shape_cast %get3A_652 : vector<1x16xi32> to vector<16xi32>
        %mul3A_654 = arith.constant 3 : i32
        %mul3A_655 = vector.broadcast %mul3A_654 : i32 to vector<16xi32>
        %mul3A_656 = arith.muli %get3A_653, %mul3A_655 : vector<16xi32>
        %get3A_657 = arith.constant 3 : i32
        %get3A_658 = arith.index_cast %get3A_657 : i32 to index
        %get3A_659 = arith.constant 32 : index
        %get3A_660 = tpu.vector_load %arg6[%get3A_658, %get3A_659] {strides = array<i32>} : memref<4x128xi32, #tpu.memory_space<vmem>>, vector<1x16xi32>,
        %get3A_661 = vector.shape_cast %get3A_660 : vector<1x16xi32> to vector<16xi32>
        %add3A_662 = arith.addi %mul3A_656, %get3A_661 : vector<16xi32>
        %swap3A_663 = arith.constant 32 : index
        %swap3A_664 = tpu.vector_load %arg10[%swap3A_663] {strides = array<i32>} : memref<128xi32, #tpu.memory_space<vmem>>, vector<16xi32>,
        %swap3A_665 = vector.shape_cast %swap3A_664 : vector<16xi32> to vector<16xi32>
        %swap3A_666 = vector.shape_cast %add3A_662 : vector<16xi32> to vector<16xi32>
        tpu.vector_store %arg10[%swap3A_663], %swap3A_666 {strides = array<i32>} : memref<128xi32, #tpu.memory_space<vmem>>, vector<16xi32>,
        %get3A_667 = arith.constant 1 : i32
        %get3A_668 = arith.index_cast %get3A_667 : i32 to index
        %get3A_669 = arith.constant 48 : index
        %get3A_670 = tpu.vector_load %arg6[%get3A_668, %get3A_669] {strides = array<i32>} : memref<4x128xi32, #tpu.memory_space<vmem>>, vector<1x16xi32>,
        %get3A_671 = vector.shape_cast %get3A_670 : vector<1x16xi32> to vector<16xi32>
        %add3A_672 = arith.constant 10240 : i32
        %add3A_673 = vector.broadcast %add3A_672 : i32 to vector<16xi32>
        %add3A_674 = arith.addi %get3A_671, %add3A_673 : vector<16xi32>
        %swap3A_675 = arith.constant 48 : index
        %swap3A_676 = tpu.vector_load %arg8[%swap3A_675] {strides = array<i32>} : memref<128xi32, #tpu.memory_space<vmem>>, vector<16xi32>,
        %swap3A_677 = vector.shape_cast %swap3A_676 : vector<16xi32> to vector<16xi32>
        %swap3A_678 = vector.shape_cast %add3A_674 : vector<16xi32> to vector<16xi32>
        tpu.vector_store %arg8[%swap3A_675], %swap3A_678 {strides = array<i32>} : memref<128xi32, #tpu.memory_space<vmem>>, vector<16xi32>,
        %get3A_679 = arith.constant 2 : i32
        %get3A_680 = arith.index_cast %get3A_679 : i32 to index
        %get3A_681 = arith.constant 48 : index
        %get3A_682 = tpu.vector_load %arg6[%get3A_680, %get3A_681] {strides = array<i32>} : memref<4x128xi32, #tpu.memory_space<vmem>>, vector<1x16xi32>,
        %get3A_683 = vector.shape_cast %get3A_682 : vector<1x16xi32> to vector<16xi32>
        %mul3A_684 = arith.constant 3 : i32
        %mul3A_685 = vector.broadcast %mul3A_684 : i32 to vector<16xi32>
        %mul3A_686 = arith.muli %get3A_683, %mul3A_685 : vector<16xi32>
        %get3A_687 = arith.constant 3 : i32
        %get3A_688 = arith.index_cast %get3A_687 : i32 to index
        %get3A_689 = arith.constant 48 : index
        %get3A_690 = tpu.vector_load %arg6[%get3A_688, %get3A_689] {strides = array<i32>} : memref<4x128xi32, #tpu.memory_space<vmem>>, vector<1x16xi32>,
        %get3A_691 = vector.shape_cast %get3A_690 : vector<1x16xi32> to vector<16xi32>
        %add3A_692 = arith.addi %mul3A_686, %get3A_691 : vector<16xi32>
        %swap3A_693 = arith.constant 48 : index
        %swap3A_694 = tpu.vector_load %arg10[%swap3A_693] {strides = array<i32>} : memref<128xi32, #tpu.memory_space<vmem>>, vector<16xi32>,
        %swap3A_695 = vector.shape_cast %swap3A_694 : vector<16xi32> to vector<16xi32>
        %swap3A_696 = vector.shape_cast %add3A_692 : vector<16xi32> to vector<16xi32>
        tpu.vector_store %arg10[%swap3A_693], %swap3A_696 {strides = array<i32>} : memref<128xi32, #tpu.memory_space<vmem>>, vector<16xi32>,
        %get3A_697 = arith.constant 1 : i32
        %get3A_698 = arith.index_cast %get3A_697 : i32 to index
        %get3A_699 = arith.constant 64 : index
        %get3A_700 = tpu.vector_load %arg6[%get3A_698, %get3A_699] {strides = array<i32>} : memref<4x128xi32, #tpu.memory_space<vmem>>, vector<1x16xi32>,
        %get3A_701 = vector.shape_cast %get3A_700 : vector<1x16xi32> to vector<16xi32>
        %add3A_702 = arith.constant 10240 : i32
        %add3A_703 = vector.broadcast %add3A_702 : i32 to vector<16xi32>
        %add3A_704 = arith.addi %get3A_701, %add3A_703 : vector<16xi32>
        %swap3A_705 = arith.constant 64 : index
        %swap3A_706 = tpu.vector_load %arg8[%swap3A_705] {strides = array<i32>} : memref<128xi32, #tpu.memory_space<vmem>>, vector<16xi32>,
        %swap3A_707 = vector.shape_cast %swap3A_706 : vector<16xi32> to vector<16xi32>
        %swap3A_708 = vector.shape_cast %add3A_704 : vector<16xi32> to vector<16xi32>
        tpu.vector_store %arg8[%swap3A_705], %swap3A_708 {strides = array<i32>} : memref<128xi32, #tpu.memory_space<vmem>>, vector<16xi32>,
        %get3A_709 = arith.constant 2 : i32
        %get3A_710 = arith.index_cast %get3A_709 : i32 to index
        %get3A_711 = arith.constant 64 : index
        %get3A_712 = tpu.vector_load %arg6[%get3A_710, %get3A_711] {strides = array<i32>} : memref<4x128xi32, #tpu.memory_space<vmem>>, vector<1x16xi32>,
        %get3A_713 = vector.shape_cast %get3A_712 : vector<1x16xi32> to vector<16xi32>
        %mul3A_714 = arith.constant 3 : i32
        %mul3A_715 = vector.broadcast %mul3A_714 : i32 to vector<16xi32>
        %mul3A_716 = arith.muli %get3A_713, %mul3A_715 : vector<16xi32>
        %get3A_717 = arith.constant 3 : i32
        %get3A_718 = arith.index_cast %get3A_717 : i32 to index
        %get3A_719 = arith.constant 64 : index
        %get3A_720 = tpu.vector_load %arg6[%get3A_718, %get3A_719] {strides = array<i32>} : memref<4x128xi32, #tpu.memory_space<vmem>>, vector<1x16xi32>,
        %get3A_721 = vector.shape_cast %get3A_720 : vector<1x16xi32> to vector<16xi32>
        %add3A_722 = arith.addi %mul3A_716, %get3A_721 : vector<16xi32>
        %swap3A_723 = arith.constant 64 : index
        %swap3A_724 = tpu.vector_load %arg10[%swap3A_723] {strides = array<i32>} : memref<128xi32, #tpu.memory_space<vmem>>, vector<16xi32>,
        %swap3A_725 = vector.shape_cast %swap3A_724 : vector<16xi32> to vector<16xi32>
        %swap3A_726 = vector.shape_cast %add3A_722 : vector<16xi32> to vector<16xi32>
        tpu.vector_store %arg10[%swap3A_723], %swap3A_726 {strides = array<i32>} : memref<128xi32, #tpu.memory_space<vmem>>, vector<16xi32>,
        %get3A_727 = arith.constant 1 : i32
        %get3A_728 = arith.index_cast %get3A_727 : i32 to index
        %get3A_729 = arith.constant 80 : index
        %get3A_730 = tpu.vector_load %arg6[%get3A_728, %get3A_729] {strides = array<i32>} : memref<4x128xi32, #tpu.memory_space<vmem>>, vector<1x16xi32>,
        %get3A_731 = vector.shape_cast %get3A_730 : vector<1x16xi32> to vector<16xi32>
        %add3A_732 = arith.constant 10240 : i32
        %add3A_733 = vector.broadcast %add3A_732 : i32 to vector<16xi32>
        %add3A_734 = arith.addi %get3A_731, %add3A_733 : vector<16xi32>
        %swap3A_735 = arith.constant 80 : index
        %swap3A_736 = tpu.vector_load %arg8[%swap3A_735] {strides = array<i32>} : memref<128xi32, #tpu.memory_space<vmem>>, vector<16xi32>,
        %swap3A_737 = vector.shape_cast %swap3A_736 : vector<16xi32> to vector<16xi32>
        %swap3A_738 = vector.shape_cast %add3A_734 : vector<16xi32> to vector<16xi32>
        tpu.vector_store %arg8[%swap3A_735], %swap3A_738 {strides = array<i32>} : memref<128xi32, #tpu.memory_space<vmem>>, vector<16xi32>,
        %get3A_739 = arith.constant 2 : i32
        %get3A_740 = arith.index_cast %get3A_739 : i32 to index
        %get3A_741 = arith.constant 80 : index
        %get3A_742 = tpu.vector_load %arg6[%get3A_740, %get3A_741] {strides = array<i32>} : memref<4x128xi32, #tpu.memory_space<vmem>>, vector<1x16xi32>,
        %get3A_743 = vector.shape_cast %get3A_742 : vector<1x16xi32> to vector<16xi32>
        %mul3A_744 = arith.constant 3 : i32
        %mul3A_745 = vector.broadcast %mul3A_744 : i32 to vector<16xi32>
        %mul3A_746 = arith.muli %get3A_743, %mul3A_745 : vector<16xi32>
        %get3A_747 = arith.constant 3 : i32
        %get3A_748 = arith.index_cast %get3A_747 : i32 to index
        %get3A_749 = arith.constant 80 : index
        %get3A_750 = tpu.vector_load %arg6[%get3A_748, %get3A_749] {strides = array<i32>} : memref<4x128xi32, #tpu.memory_space<vmem>>, vector<1x16xi32>,
        %get3A_751 = vector.shape_cast %get3A_750 : vector<1x16xi32> to vector<16xi32>
        %add3A_752 = arith.addi %mul3A_746, %get3A_751 : vector<16xi32>
        %swap3A_753 = arith.constant 80 : index
        %swap3A_754 = tpu.vector_load %arg10[%swap3A_753] {strides = array<i32>} : memref<128xi32, #tpu.memory_space<vmem>>, vector<16xi32>,
        %swap3A_755 = vector.shape_cast %swap3A_754 : vector<16xi32> to vector<16xi32>
        %swap3A_756 = vector.shape_cast %add3A_752 : vector<16xi32> to vector<16xi32>
        tpu.vector_store %arg10[%swap3A_753], %swap3A_756 {strides = array<i32>} : memref<128xi32, #tpu.memory_space<vmem>>, vector<16xi32>,
        %get3A_757 = arith.constant 1 : i32
        %get3A_758 = arith.index_cast %get3A_757 : i32 to index
        %get3A_759 = arith.constant 96 : index
        %get3A_760 = tpu.vector_load %arg6[%get3A_758, %get3A_759] {strides = array<i32>} : memref<4x128xi32, #tpu.memory_space<vmem>>, vector<1x16xi32>,
        %get3A_761 = vector.shape_cast %get3A_760 : vector<1x16xi32> to vector<16xi32>
        %add3A_762 = arith.constant 10240 : i32
        %add3A_763 = vector.broadcast %add3A_762 : i32 to vector<16xi32>
        %add3A_764 = arith.addi %get3A_761, %add3A_763 : vector<16xi32>
        %swap3A_765 = arith.constant 96 : index
        %swap3A_766 = tpu.vector_load %arg8[%swap3A_765] {strides = array<i32>} : memref<128xi32, #tpu.memory_space<vmem>>, vector<16xi32>,
        %swap3A_767 = vector.shape_cast %swap3A_766 : vector<16xi32> to vector<16xi32>
        %swap3A_768 = vector.shape_cast %add3A_764 : vector<16xi32> to vector<16xi32>
        tpu.vector_store %arg8[%swap3A_765], %swap3A_768 {strides = array<i32>} : memref<128xi32, #tpu.memory_space<vmem>>, vector<16xi32>,
        %get3A_769 = arith.constant 2 : i32
        %get3A_770 = arith.index_cast %get3A_769 : i32 to index
        %get3A_771 = arith.constant 96 : index
        %get3A_772 = tpu.vector_load %arg6[%get3A_770, %get3A_771] {strides = array<i32>} : memref<4x128xi32, #tpu.memory_space<vmem>>, vector<1x16xi32>,
        %get3A_773 = vector.shape_cast %get3A_772 : vector<1x16xi32> to vector<16xi32>
        %mul3A_774 = arith.constant 3 : i32
        %mul3A_775 = vector.broadcast %mul3A_774 : i32 to vector<16xi32>
        %mul3A_776 = arith.muli %get3A_773, %mul3A_775 : vector<16xi32>
        %get3A_777 = arith.constant 3 : i32
        %get3A_778 = arith.index_cast %get3A_777 : i32 to index
        %get3A_779 = arith.constant 96 : index
        %get3A_780 = tpu.vector_load %arg6[%get3A_778, %get3A_779] {strides = array<i32>} : memref<4x128xi32, #tpu.memory_space<vmem>>, vector<1x16xi32>,
        %get3A_781 = vector.shape_cast %get3A_780 : vector<1x16xi32> to vector<16xi32>
        %add3A_782 = arith.addi %mul3A_776, %get3A_781 : vector<16xi32>
        %swap3A_783 = arith.constant 96 : index
        %swap3A_784 = tpu.vector_load %arg10[%swap3A_783] {strides = array<i32>} : memref<128xi32, #tpu.memory_space<vmem>>, vector<16xi32>,
        %swap3A_785 = vector.shape_cast %swap3A_784 : vector<16xi32> to vector<16xi32>
        %swap3A_786 = vector.shape_cast %add3A_782 : vector<16xi32> to vector<16xi32>
        tpu.vector_store %arg10[%swap3A_783], %swap3A_786 {strides = array<i32>} : memref<128xi32, #tpu.memory_space<vmem>>, vector<16xi32>,
        %get3A_787 = arith.constant 1 : i32
        %get3A_788 = arith.index_cast %get3A_787 : i32 to index
        %get3A_789 = arith.constant 112 : index
        %get3A_790 = tpu.vector_load %arg6[%get3A_788, %get3A_789] {strides = array<i32>} : memref<4x128xi32, #tpu.memory_space<vmem>>, vector<1x16xi32>,
        %get3A_791 = vector.shape_cast %get3A_790 : vector<1x16xi32> to vector<16xi32>
        %add3A_792 = arith.constant 10240 : i32
        %add3A_793 = vector.broadcast %add3A_792 : i32 to vector<16xi32>
        %add3A_794 = arith.addi %get3A_791, %add3A_793 : vector<16xi32>
        %swap3A_795 = arith.constant 112 : index
        %swap3A_796 = tpu.vector_load %arg8[%swap3A_795] {strides = array<i32>} : memref<128xi32, #tpu.memory_space<vmem>>, vector<16xi32>,
        %swap3A_797 = vector.shape_cast %swap3A_796 : vector<16xi32> to vector<16xi32>
        %swap3A_798 = vector.shape_cast %add3A_794 : vector<16xi32> to vector<16xi32>
        tpu.vector_store %arg8[%swap3A_795], %swap3A_798 {strides = array<i32>} : memref<128xi32, #tpu.memory_space<vmem>>, vector<16xi32>,
        %get3A_799 = arith.constant 2 : i32
        %get3A_800 = arith.index_cast %get3A_799 : i32 to index
        %get3A_801 = arith.constant 112 : index
        %get3A_802 = tpu.vector_load %arg6[%get3A_800, %get3A_801] {strides = array<i32>} : memref<4x128xi32, #tpu.memory_space<vmem>>, vector<1x16xi32>,
        %get3A_803 = vector.shape_cast %get3A_802 : vector<1x16xi32> to vector<16xi32>
        %mul3A_804 = arith.constant 3 : i32
        %mul3A_805 = vector.broadcast %mul3A_804 : i32 to vector<16xi32>
        %mul3A_806 = arith.muli %get3A_803, %mul3A_805 : vector<16xi32>
        %get3A_807 = arith.constant 3 : i32
        %get3A_808 = arith.index_cast %get3A_807 : i32 to index
        %get3A_809 = arith.constant 112 : index
        %get3A_810 = tpu.vector_load %arg6[%get3A_808, %get3A_809] {strides = array<i32>} : memref<4x128xi32, #tpu.memory_space<vmem>>, vector<1x16xi32>,
        %get3A_811 = vector.shape_cast %get3A_810 : vector<1x16xi32> to vector<16xi32>
        %add3A_812 = arith.addi %mul3A_806, %get3A_811 : vector<16xi32>
        %swap3A_813 = arith.constant 112 : index
        %swap3A_814 = tpu.vector_load %arg10[%swap3A_813] {strides = array<i32>} : memref<128xi32, #tpu.memory_space<vmem>>, vector<16xi32>,
        %swap3A_815 = vector.shape_cast %swap3A_814 : vector<16xi32> to vector<16xi32>
        %swap3A_816 = vector.shape_cast %add3A_812 : vector<16xi32> to vector<16xi32>
        tpu.vector_store %arg10[%swap3A_813], %swap3A_816 {strides = array<i32>} : memref<128xi32, #tpu.memory_space<vmem>>, vector<16xi32>,
        %dma_start3A_817 = arith.constant 0 : i32
        %dma_start3A_818 = arith.constant 0 : i32
        %dma_start3A_819 = tpu.memref_slice %arg6[%dma_start3A_817, %dma_start3A_818] : memref<4x128xi32, #tpu.memory_space<vmem>> -> memref<1x128xi32, #tpu.memory_space<vmem>>
        %dma_start3A_820 = tpu.memref_squeeze %dma_start3A_819 : memref<1x128xi32, #tpu.memory_space<vmem>> -> memref<128xi32, #tpu.memory_space<vmem>>
        %dma_start3A_821 = arith.constant 0 : i32
        %dma_start3A_822 = arith.constant 0 : i32
        %dma_start3A_823 = tpu.memref_slice %arg2[%dma_start3A_821, %dma_start3A_822] : memref<110592x128xf32, #tpu.memory_space<hbm>> -> memref<110592x128xf32, #tpu.memory_space<hbm>>
        tpu.enqueue_indirect_dma source(%dma_start3A_823 : memref<110592x128xf32, #tpu.memory_space<hbm>>) target(%arg12 : memref<128x128xf32, #tpu.memory_space<vmem>>) offsets(%dma_start3A_820 : memref<128xi32, #tpu.memory_space<vmem>>) semaphore(%arg18 : memref<!tpu.dma_semaphore, #tpu.memory_space<semaphore_mem>>)
        %dma_start3A_824 = arith.constant 0 : i32
        %dma_start3A_825 = arith.constant 0 : i32
        %dma_start3A_826 = tpu.memref_slice %arg2[%dma_start3A_824, %dma_start3A_825] : memref<110592x128xf32, #tpu.memory_space<hbm>> -> memref<110592x128xf32, #tpu.memory_space<hbm>>
        tpu.enqueue_indirect_dma source(%dma_start3A_826 : memref<110592x128xf32, #tpu.memory_space<hbm>>) target(%arg13 : memref<128x128xf32, #tpu.memory_space<vmem>>) offsets(%arg8 : memref<128xi32, #tpu.memory_space<vmem>>) semaphore(%arg18 : memref<!tpu.dma_semaphore, #tpu.memory_space<semaphore_mem>>)
        %dma_start3A_827 = arith.constant 0 : i32
        %dma_start3A_828 = arith.constant 0 : i32
        %dma_start3A_829 = tpu.memref_slice %arg3[%dma_start3A_827, %dma_start3A_828] : memref<3072x128xf32, #tpu.memory_space<hbm>> -> memref<3072x128xf32, #tpu.memory_space<hbm>>
        tpu.enqueue_indirect_dma source(%dma_start3A_829 : memref<3072x128xf32, #tpu.memory_space<hbm>>) target(%arg14 : memref<128x128xf32, #tpu.memory_space<vmem>>) offsets(%arg10 : memref<128xi32, #tpu.memory_space<vmem>>) semaphore(%arg18 : memref<!tpu.dma_semaphore, #tpu.memory_space<semaphore_mem>>)
      } else {
      }
      %dma_wait3A_546 = arith.constant 0 : i32
      %dma_wait3A_547 = arith.constant 0 : i32
      %dma_wait3A_548 = tpu.memref_slice %arg2[%dma_wait3A_546, %dma_wait3A_547] : memref<110592x128xf32, #tpu.memory_space<hbm>> -> memref<128x128xf32, #tpu.memory_space<hbm>>
      %dma_wait3A_549 = arith.constant 0 : i32
      %dma_wait3A_550 = arith.constant 0 : i32
      %dma_wait3A_551 = tpu.memref_slice %arg2[%dma_wait3A_549, %dma_wait3A_550] : memref<110592x128xf32, #tpu.memory_space<hbm>> -> memref<128x128xf32, #tpu.memory_space<hbm>>
      tpu.wait_dma2 semaphore(%arg19 : memref<!tpu.dma_semaphore, #tpu.memory_space<semaphore_mem>>) src(%dma_wait3A_551 : memref<128x128xf32, #tpu.memory_space<hbm>>) dst(%arg15 : memref<128x128xf32, #tpu.memory_space<vmem>>)
      %dma_wait3A_552 = arith.constant 0 : i32
      %dma_wait3A_553 = arith.constant 0 : i32
      %dma_wait3A_554 = tpu.memref_slice %arg2[%dma_wait3A_552, %dma_wait3A_553] : memref<110592x128xf32, #tpu.memory_space<hbm>> -> memref<128x128xf32, #tpu.memory_space<hbm>>
      %dma_wait3A_555 = arith.constant 0 : i32
      %dma_wait3A_556 = arith.constant 0 : i32
      %dma_wait3A_557 = tpu.memref_slice %arg2[%dma_wait3A_555, %dma_wait3A_556] : memref<110592x128xf32, #tpu.memory_space<hbm>> -> memref<128x128xf32, #tpu.memory_space<hbm>>
      tpu.wait_dma2 semaphore(%arg19 : memref<!tpu.dma_semaphore, #tpu.memory_space<semaphore_mem>>) src(%dma_wait3A_557 : memref<128x128xf32, #tpu.memory_space<hbm>>) dst(%arg16 : memref<128x128xf32, #tpu.memory_space<vmem>>)
      %dma_wait3A_558 = arith.constant 0 : i32
      %dma_wait3A_559 = arith.constant 0 : i32
      %dma_wait3A_560 = tpu.memref_slice %arg2[%dma_wait3A_558, %dma_wait3A_559] : memref<110592x128xf32, #tpu.memory_space<hbm>> -> memref<128x128xf32, #tpu.memory_space<hbm>>
      %dma_wait3A_561 = arith.constant 0 : i32
      %dma_wait3A_562 = arith.constant 0 : i32
      %dma_wait3A_563 = tpu.memref_slice %arg2[%dma_wait3A_561, %dma_wait3A_562] : memref<110592x128xf32, #tpu.memory_space<hbm>> -> memref<128x128xf32, #tpu.memory_space<hbm>>
      tpu.wait_dma2 semaphore(%arg19 : memref<!tpu.dma_semaphore, #tpu.memory_space<semaphore_mem>>) src(%dma_wait3A_563 : memref<128x128xf32, #tpu.memory_space<hbm>>) dst(%arg17 : memref<128x128xf32, #tpu.memory_space<vmem>>)
      %scan3A_564 = arith.constant 0 : i32
      %scan3A_565 = arith.constant 0 : i32
      %scan3A_566 = arith.constant 128 : i32
      %scan3A_567 = arith.addi %scan3A_565, %scan3A_566 : i32
      %scan3A_568 = arith.constant 1 : i32
      scf.for %scan3A_573 = %scan3A_565 to %scan3A_567 step %scan3A_568  : i32 {
        %get3A_574 = arith.index_cast %scan3A_573 : i32 to index
        %get3A_575 = arith.constant 0 : index
        %get3A_576 = tpu.vector_load %arg15[%get3A_574, %get3A_575] {strides = array<i32>} : memref<128x128xf32, #tpu.memory_space<vmem>>, vector<1x16xf32>,
        %get3A_577 = vector.shape_cast %get3A_576 : vector<1x16xf32> to vector<16xf32>
        %get3A_578 = arith.index_cast %scan3A_573 : i32 to index
        %get3A_579 = arith.constant 0 : index
        %get3A_580 = tpu.vector_load %arg16[%get3A_578, %get3A_579] {strides = array<i32>} : memref<128x128xf32, #tpu.memory_space<vmem>>, vector<1x16xf32>,
        %get3A_581 = vector.shape_cast %get3A_580 : vector<1x16xf32> to vector<16xf32>
        %add3A_582 = arith.addf %get3A_577, %get3A_581 : vector<16xf32>
        %get3A_583 = arith.index_cast %scan3A_573 : i32 to index
        %get3A_584 = arith.constant 0 : index
        %get3A_585 = tpu.vector_load %arg17[%get3A_583, %get3A_584] {strides = array<i32>} : memref<128x128xf32, #tpu.memory_space<vmem>>, vector<1x16xf32>,
        %get3A_586 = vector.shape_cast %get3A_585 : vector<1x16xf32> to vector<16xf32>
        %add3A_587 = arith.addf %add3A_582, %get3A_586 : vector<16xf32>
        %swap3A_588 = arith.index_cast %scan3A_573 : i32 to index
        %swap3A_589 = arith.constant 0 : index
        %swap3A_590 = tpu.vector_load %arg15[%swap3A_588, %swap3A_589] {strides = array<i32>} : memref<128x128xf32, #tpu.memory_space<vmem>>, vector<1x16xf32>,
        %swap3A_591 = vector.shape_cast %swap3A_590 : vector<1x16xf32> to vector<16xf32>
        %swap3A_592 = vector.shape_cast %add3A_587 : vector<16xf32> to vector<1x16xf32>
        tpu.vector_store %arg15[%swap3A_588, %swap3A_589], %swap3A_592 {strides = array<i32>} : memref<128x128xf32, #tpu.memory_space<vmem>>, vector<1x16xf32>,
        %get3A_593 = arith.index_cast %scan3A_573 : i32 to index
        %get3A_594 = arith.constant 16 : index
        %get3A_595 = tpu.vector_load %arg15[%get3A_593, %get3A_594] {strides = array<i32>} : memref<128x128xf32, #tpu.memory_space<vmem>>, vector<1x16xf32>,
        %get3A_596 = vector.shape_cast %get3A_595 : vector<1x16xf32> to vector<16xf32>
        %get3A_597 = arith.index_cast %scan3A_573 : i32 to index
        %get3A_598 = arith.constant 16 : index
        %get3A_599 = tpu.vector_load %arg16[%get3A_597, %get3A_598] {strides = array<i32>} : memref<128x128xf32, #tpu.memory_space<vmem>>, vector<1x16xf32>,
        %get3A_600 = vector.shape_cast %get3A_599 : vector<1x16xf32> to vector<16xf32>
        %add3A_601 = arith.addf %get3A_596, %get3A_600 : vector<16xf32>
        %get3A_602 = arith.index_cast %scan3A_573 : i32 to index
        %get3A_603 = arith.constant 16 : index
        %get3A_604 = tpu.vector_load %arg17[%get3A_602, %get3A_603] {strides = array<i32>} : memref<128x128xf32, #tpu.memory_space<vmem>>, vector<1x16xf32>,
        %get3A_605 = vector.shape_cast %get3A_604 : vector<1x16xf32> to vector<16xf32>
        %add3A_606 = arith.addf %add3A_601, %get3A_605 : vector<16xf32>
        %swap3A_607 = arith.index_cast %scan3A_573 : i32 to index
        %swap3A_608 = arith.constant 16 : index
        %swap3A_609 = tpu.vector_load %arg15[%swap3A_607, %swap3A_608] {strides = array<i32>} : memref<128x128xf32, #tpu.memory_space<vmem>>, vector<1x16xf32>,
        %swap3A_610 = vector.shape_cast %swap3A_609 : vector<1x16xf32> to vector<16xf32>
        %swap3A_611 = vector.shape_cast %add3A_606 : vector<16xf32> to vector<1x16xf32>
        tpu.vector_store %arg15[%swap3A_607, %swap3A_608], %swap3A_611 {strides = array<i32>} : memref<128x128xf32, #tpu.memory_space<vmem>>, vector<1x16xf32>,
        %get3A_612 = arith.index_cast %scan3A_573 : i32 to index
        %get3A_613 = arith.constant 32 : index
        %get3A_614 = tpu.vector_load %arg15[%get3A_612, %get3A_613] {strides = array<i32>} : memref<128x128xf32, #tpu.memory_space<vmem>>, vector<1x16xf32>,
        %get3A_615 = vector.shape_cast %get3A_614 : vector<1x16xf32> to vector<16xf32>
        %get3A_616 = arith.index_cast %scan3A_573 : i32 to index
        %get3A_617 = arith.constant 32 : index
        %get3A_618 = tpu.vector_load %arg16[%get3A_616, %get3A_617] {strides = array<i32>} : memref<128x128xf32, #tpu.memory_space<vmem>>, vector<1x16xf32>,
        %get3A_619 = vector.shape_cast %get3A_618 : vector<1x16xf32> to vector<16xf32>
        %add3A_620 = arith.addf %get3A_615, %get3A_619 : vector<16xf32>
        %get3A_621 = arith.index_cast %scan3A_573 : i32 to index
        %get3A_622 = arith.constant 32 : index
        %get3A_623 = tpu.vector_load %arg17[%get3A_621, %get3A_622] {strides = array<i32>} : memref<128x128xf32, #tpu.memory_space<vmem>>, vector<1x16xf32>,
        %get3A_624 = vector.shape_cast %get3A_623 : vector<1x16xf32> to vector<16xf32>
        %add3A_625 = arith.addf %add3A_620, %get3A_624 : vector<16xf32>
        %swap3A_626 = arith.index_cast %scan3A_573 : i32 to index
        %swap3A_627 = arith.constant 32 : index
        %swap3A_628 = tpu.vector_load %arg15[%swap3A_626, %swap3A_627] {strides = array<i32>} : memref<128x128xf32, #tpu.memory_space<vmem>>, vector<1x16xf32>,
        %swap3A_629 = vector.shape_cast %swap3A_628 : vector<1x16xf32> to vector<16xf32>
        %swap3A_630 = vector.shape_cast %add3A_625 : vector<16xf32> to vector<1x16xf32>
        tpu.vector_store %arg15[%swap3A_626, %swap3A_627], %swap3A_630 {strides = array<i32>} : memref<128x128xf32, #tpu.memory_space<vmem>>, vector<1x16xf32>,
        %get3A_631 = arith.index_cast %scan3A_573 : i32 to index
        %get3A_632 = arith.constant 48 : index
        %get3A_633 = tpu.vector_load %arg15[%get3A_631, %get3A_632] {strides = array<i32>} : memref<128x128xf32, #tpu.memory_space<vmem>>, vector<1x16xf32>,
        %get3A_634 = vector.shape_cast %get3A_633 : vector<1x16xf32> to vector<16xf32>
        %get3A_635 = arith.index_cast %scan3A_573 : i32 to index
        %get3A_636 = arith.constant 48 : index
        %get3A_637 = tpu.vector_load %arg16[%get3A_635, %get3A_636] {strides = array<i32>} : memref<128x128xf32, #tpu.memory_space<vmem>>, vector<1x16xf32>,
        %get3A_638 = vector.shape_cast %get3A_637 : vector<1x16xf32> to vector<16xf32>
        %add3A_639 = arith.addf %get3A_634, %get3A_638 : vector<16xf32>
        %get3A_640 = arith.index_cast %scan3A_573 : i32 to index
        %get3A_641 = arith.constant 48 : index
        %get3A_642 = tpu.vector_load %arg17[%get3A_640, %get3A_641] {strides = array<i32>} : memref<128x128xf32, #tpu.memory_space<vmem>>, vector<1x16xf32>,
        %get3A_643 = vector.shape_cast %get3A_642 : vector<1x16xf32> to vector<16xf32>
        %add3A_644 = arith.addf %add3A_639, %get3A_643 : vector<16xf32>
        %swap3A_645 = arith.index_cast %scan3A_573 : i32 to index
        %swap3A_646 = arith.constant 48 : index
        %swap3A_647 = tpu.vector_load %arg15[%swap3A_645, %swap3A_646] {strides = array<i32>} : memref<128x128xf32, #tpu.memory_space<vmem>>, vector<1x16xf32>,
        %swap3A_648 = vector.shape_cast %swap3A_647 : vector<1x16xf32> to vector<16xf32>
        %swap3A_649 = vector.shape_cast %add3A_644 : vector<16xf32> to vector<1x16xf32>
        tpu.vector_store %arg15[%swap3A_645, %swap3A_646], %swap3A_649 {strides = array<i32>} : memref<128x128xf32, #tpu.memory_space<vmem>>, vector<1x16xf32>,
        %get3A_650 = arith.index_cast %scan3A_573 : i32 to index
        %get3A_651 = arith.constant 64 : index
        %get3A_652 = tpu.vector_load %arg15[%get3A_650, %get3A_651] {strides = array<i32>} : memref<128x128xf32, #tpu.memory_space<vmem>>, vector<1x16xf32>,
        %get3A_653 = vector.shape_cast %get3A_652 : vector<1x16xf32> to vector<16xf32>
        %get3A_654 = arith.index_cast %scan3A_573 : i32 to index
        %get3A_655 = arith.constant 64 : index
        %get3A_656 = tpu.vector_load %arg16[%get3A_654, %get3A_655] {strides = array<i32>} : memref<128x128xf32, #tpu.memory_space<vmem>>, vector<1x16xf32>,
        %get3A_657 = vector.shape_cast %get3A_656 : vector<1x16xf32> to vector<16xf32>
        %add3A_658 = arith.addf %get3A_653, %get3A_657 : vector<16xf32>
        %get3A_659 = arith.index_cast %scan3A_573 : i32 to index
        %get3A_660 = arith.constant 64 : index
        %get3A_661 = tpu.vector_load %arg17[%get3A_659, %get3A_660] {strides = array<i32>} : memref<128x128xf32, #tpu.memory_space<vmem>>, vector<1x16xf32>,
        %get3A_662 = vector.shape_cast %get3A_661 : vector<1x16xf32> to vector<16xf32>
        %add3A_663 = arith.addf %add3A_658, %get3A_662 : vector<16xf32>
        %swap3A_664 = arith.index_cast %scan3A_573 : i32 to index
        %swap3A_665 = arith.constant 64 : index
        %swap3A_666 = tpu.vector_load %arg15[%swap3A_664, %swap3A_665] {strides = array<i32>} : memref<128x128xf32, #tpu.memory_space<vmem>>, vector<1x16xf32>,
        %swap3A_667 = vector.shape_cast %swap3A_666 : vector<1x16xf32> to vector<16xf32>
        %swap3A_668 = vector.shape_cast %add3A_663 : vector<16xf32> to vector<1x16xf32>
        tpu.vector_store %arg15[%swap3A_664, %swap3A_665], %swap3A_668 {strides = array<i32>} : memref<128x128xf32, #tpu.memory_space<vmem>>, vector<1x16xf32>,
        %get3A_669 = arith.index_cast %scan3A_573 : i32 to index
        %get3A_670 = arith.constant 80 : index
        %get3A_671 = tpu.vector_load %arg15[%get3A_669, %get3A_670] {strides = array<i32>} : memref<128x128xf32, #tpu.memory_space<vmem>>, vector<1x16xf32>,
        %get3A_672 = vector.shape_cast %get3A_671 : vector<1x16xf32> to vector<16xf32>
        %get3A_673 = arith.index_cast %scan3A_573 : i32 to index
        %get3A_674 = arith.constant 80 : index
        %get3A_675 = tpu.vector_load %arg16[%get3A_673, %get3A_674] {strides = array<i32>} : memref<128x128xf32, #tpu.memory_space<vmem>>, vector<1x16xf32>,
        %get3A_676 = vector.shape_cast %get3A_675 : vector<1x16xf32> to vector<16xf32>
        %add3A_677 = arith.addf %get3A_672, %get3A_676 : vector<16xf32>
        %get3A_678 = arith.index_cast %scan3A_573 : i32 to index
        %get3A_679 = arith.constant 80 : index
        %get3A_680 = tpu.vector_load %arg17[%get3A_678, %get3A_679] {strides = array<i32>} : memref<128x128xf32, #tpu.memory_space<vmem>>, vector<1x16xf32>,
        %get3A_681 = vector.shape_cast %get3A_680 : vector<1x16xf32> to vector<16xf32>
        %add3A_682 = arith.addf %add3A_677, %get3A_681 : vector<16xf32>
        %swap3A_683 = arith.index_cast %scan3A_573 : i32 to index
        %swap3A_684 = arith.constant 80 : index
        %swap3A_685 = tpu.vector_load %arg15[%swap3A_683, %swap3A_684] {strides = array<i32>} : memref<128x128xf32, #tpu.memory_space<vmem>>, vector<1x16xf32>,
        %swap3A_686 = vector.shape_cast %swap3A_685 : vector<1x16xf32> to vector<16xf32>
        %swap3A_687 = vector.shape_cast %add3A_682 : vector<16xf32> to vector<1x16xf32>
        tpu.vector_store %arg15[%swap3A_683, %swap3A_684], %swap3A_687 {strides = array<i32>} : memref<128x128xf32, #tpu.memory_space<vmem>>, vector<1x16xf32>,
      }
      %scan3A_569 = arith.constant 128 : i32
      %mul3A_570 = arith.constant 128 : i32
      %mul3A_571 = arith.muli %add3A_262, %mul3A_570 : i32
      %add3A_572 = arith.addi %mul3A_2, %mul3A_571 : i32
      "tpu.region"() ({
        %run_scoped3A = tpu.sem_alloc : memref<!tpu.dma_semaphore, #tpu.memory_space<semaphore_mem>>
        %dma_start3A_573 = arith.constant 0 : i32
        %dma_start3A_574 = tpu.memref_slice %arg5[%add3A_572, %dma_start3A_573] : memref<819200x128xf32, #tpu.memory_space<hbm>> -> memref<128x128xf32, #tpu.memory_space<hbm>>
        %dma_start3A_575 = arith.constant 0 : i32
        %dma_start3A_576 = tpu.memref_slice %arg5[%add3A_572, %dma_start3A_575] : memref<819200x128xf32, #tpu.memory_space<hbm>> -> memref<128x128xf32, #tpu.memory_space<hbm>>
        tpu.enqueue_dma source(%arg15 : memref<128x128xf32, #tpu.memory_space<vmem>>) target(%dma_start3A_576 : memref<128x128xf32, #tpu.memory_space<hbm>>) target_semaphore(%run_scoped3A : memref<!tpu.dma_semaphore, #tpu.memory_space<semaphore_mem>>)
        %dma_wait3A_577 = arith.constant 0 : i32
        %dma_wait3A_578 = tpu.memref_slice %arg5[%add3A_572, %dma_wait3A_577] : memref<819200x128xf32, #tpu.memory_space<hbm>> -> memref<128x128xf32, #tpu.memory_space<hbm>>
        %dma_wait3A_579 = arith.constant 0 : i32
        %dma_wait3A_580 = tpu.memref_slice %arg5[%add3A_572, %dma_wait3A_579] : memref<819200x128xf32, #tpu.memory_space<hbm>> -> memref<128x128xf32, #tpu.memory_space<hbm>>
        tpu.wait_dma2 semaphore(%run_scoped3A : memref<!tpu.dma_semaphore, #tpu.memory_space<semaphore_mem>>) src(%arg15 : memref<128x128xf32, #tpu.memory_space<vmem>>) dst(%dma_wait3A_580 : memref<128x128xf32, #tpu.memory_space<hbm>>)
        tpu.yield
      }) : () -> ()
    }
    %scan3A_257 = arith.constant 100 : i32
    return
  }
}

module attributes {stable_mosaic.version = 14 : i64} {
  func.func @_proj_body(%arg0: i32, %arg1: memref<512x32xf32, #tpu.memory_space<vmem>>, %arg2: memref<512x32xf32, #tpu.memory_space<vmem>>, %arg3: memref<512x32xf32, #tpu.memory_space<vmem>>, %arg4: memref<4x32x128xf32, #tpu.memory_space<vmem>>, %arg5: memref<512x128xf32, #tpu.memory_space<vmem>>, %arg6: memref<512x128xf32, #tpu.memory_space<vmem>>) attributes {dimension_semantics = [#tpu.dimension_semantics<arbitrary>], iteration_bounds = array<i64: 218>, scalar_prefetch = 0 : i64, scratch_operands = 0 : i64, tpu.core_type = #tpu.core_type<tc>, window_params = [{transform_indices = @transform_0, window_bounds = array<i64: 512, 32>}, {transform_indices = @transform_1, window_bounds = array<i64: 512, 32>}, {transform_indices = @transform_2, window_bounds = array<i64: 512, 32>}, {pipeline_mode = #tpu.pipeline_mode<synchronous>, transform_indices = @transform_3, window_bounds = array<i64: 4, 32, 128>}, {transform_indices = @transform_4, window_bounds = array<i64: 512, 128>}, {transform_indices = @transform_5, window_bounds = array<i64: 512, 128>}]} {
    %lt3A = arith.constant 20 : i32
    %lt3A_0 = arith.cmpi slt, %arg0, %lt3A : i32
    %convert_element_type3A = arith.extui %lt3A_0 : i1 to i32
    %cond3A = arith.constant 0 : i32
    %cond3A_1 = arith.cmpi ne, %convert_element_type3A, %cond3A : i32
    scf.if %cond3A_1 {
      %get3A = arith.constant 0 : index
      %get3A_13 = arith.constant 0 : index
      %get3A_14 = vector.load %arg1[%get3A, %get3A_13] : memref<512x32xf32, #tpu.memory_space<vmem>>, vector<512x32xf32>
      %get3A_15 = arith.constant 1 : index
      %get3A_16 = arith.constant 0 : index
      %get3A_17 = arith.constant 0 : index
      %get3A_18 = vector.load %arg4[%get3A_15, %get3A_16, %get3A_17] : memref<4x32x128xf32, #tpu.memory_space<vmem>>, vector<1x32x128xf32>
      %get3A_19 = vector.shape_cast %get3A_18 : vector<1x32x128xf32> to vector<32x128xf32>
      %dot_general3A = arith.constant dense<0.000000e+00> : vector<512x128xf32>
      %dot_general3A_20 = tpu.matmul %get3A_14, %get3A_19, %dot_general3A {dimension_numbers = #tpu.dot_dimension_numbers<[1], [0], [0], [1], [0, 0, 1, 1], [], []>, transpose_lhs_hint = false} : vector<512x32xf32>, vector<32x128xf32>, vector<512x128xf32> -> vector<512x128xf32>
      %swap3A = arith.constant 0 : index
      %swap3A_21 = arith.constant 0 : index
      %swap3A_22 = vector.load %arg5[%swap3A, %swap3A_21] : memref<512x128xf32, #tpu.memory_space<vmem>>, vector<512x128xf32>
      tpu.vector_store %arg5[%swap3A, %swap3A_21], %dot_general3A_20 {strides = array<i32>} : memref<512x128xf32, #tpu.memory_space<vmem>>, vector<512x128xf32>,
    } else {
    }
    %ge3A = arith.constant 20 : i32
    %ge3A_2 = arith.cmpi sge, %arg0, %ge3A : i32
    %lt3A_3 = arith.constant 216 : i32
    %lt3A_4 = arith.cmpi slt, %arg0, %lt3A_3 : i32
    %and3A = arith.andi %ge3A_2, %lt3A_4 : i1
    %convert_element_type3A_5 = arith.extui %and3A : i1 to i32
    %cond3A_6 = arith.constant 0 : i32
    %cond3A_7 = arith.cmpi ne, %convert_element_type3A_5, %cond3A_6 : i32
    scf.if %cond3A_7 {
      %get3A = arith.constant 0 : index
      %get3A_13 = arith.constant 0 : index
      %get3A_14 = vector.load %arg2[%get3A, %get3A_13] : memref<512x32xf32, #tpu.memory_space<vmem>>, vector<512x32xf32>
      %get3A_15 = arith.constant 2 : index
      %get3A_16 = arith.constant 0 : index
      %get3A_17 = arith.constant 0 : index
      %get3A_18 = vector.load %arg4[%get3A_15, %get3A_16, %get3A_17] : memref<4x32x128xf32, #tpu.memory_space<vmem>>, vector<1x32x128xf32>
      %get3A_19 = vector.shape_cast %get3A_18 : vector<1x32x128xf32> to vector<32x128xf32>
      %dot_general3A = arith.constant dense<0.000000e+00> : vector<512x128xf32>
      %dot_general3A_20 = tpu.matmul %get3A_14, %get3A_19, %dot_general3A {dimension_numbers = #tpu.dot_dimension_numbers<[1], [0], [0], [1], [0, 0, 1, 1], [], []>, transpose_lhs_hint = false} : vector<512x32xf32>, vector<32x128xf32>, vector<512x128xf32> -> vector<512x128xf32>
      %swap3A = arith.constant 0 : index
      %swap3A_21 = arith.constant 0 : index
      %swap3A_22 = vector.load %arg5[%swap3A, %swap3A_21] : memref<512x128xf32, #tpu.memory_space<vmem>>, vector<512x128xf32>
      tpu.vector_store %arg5[%swap3A, %swap3A_21], %dot_general3A_20 {strides = array<i32>} : memref<512x128xf32, #tpu.memory_space<vmem>>, vector<512x128xf32>,
    } else {
    }
    %ge3A_8 = arith.constant 216 : i32
    %ge3A_9 = arith.cmpi sge, %arg0, %ge3A_8 : i32
    %convert_element_type3A_10 = arith.extui %ge3A_9 : i1 to i32
    %cond3A_11 = arith.constant 0 : i32
    %cond3A_12 = arith.cmpi ne, %convert_element_type3A_10, %cond3A_11 : i32
    scf.if %cond3A_12 {
      %get3A = arith.constant 0 : index
      %get3A_13 = arith.constant 0 : index
      %get3A_14 = vector.load %arg3[%get3A, %get3A_13] : memref<512x32xf32, #tpu.memory_space<vmem>>, vector<512x32xf32>
      %get3A_15 = arith.constant 3 : index
      %get3A_16 = arith.constant 0 : index
      %get3A_17 = arith.constant 0 : index
      %get3A_18 = vector.load %arg4[%get3A_15, %get3A_16, %get3A_17] : memref<4x32x128xf32, #tpu.memory_space<vmem>>, vector<1x32x128xf32>
      %get3A_19 = vector.shape_cast %get3A_18 : vector<1x32x128xf32> to vector<32x128xf32>
      %dot_general3A = arith.constant dense<0.000000e+00> : vector<512x128xf32>
      %dot_general3A_20 = tpu.matmul %get3A_14, %get3A_19, %dot_general3A {dimension_numbers = #tpu.dot_dimension_numbers<[1], [0], [0], [1], [0, 0, 1, 1], [], []>, transpose_lhs_hint = false} : vector<512x32xf32>, vector<32x128xf32>, vector<512x128xf32> -> vector<512x128xf32>
      %swap3A = arith.constant 0 : index
      %swap3A_21 = arith.constant 0 : index
      %swap3A_22 = vector.load %arg6[%swap3A, %swap3A_21] : memref<512x128xf32, #tpu.memory_space<vmem>>, vector<512x128xf32>
      tpu.vector_store %arg6[%swap3A, %swap3A_21], %dot_general3A_20 {strides = array<i32>} : memref<512x128xf32, #tpu.memory_space<vmem>>, vector<512x128xf32>,
    } else {
    }
    return
  }
  func.func @transform_0(%arg0: i32) -> (i32, i32) {
    %jit3A = arith.constant 0 : i32
    %jit3A_0 = arith.constant 19 : i32
    %max3A = arith.maxsi %jit3A, %arg0 : i32
    %min3A = arith.minsi %jit3A_0, %max3A : i32
    %c0_i32 = arith.constant 0 : i32
    %c0_i32_1 = arith.constant 0 : i32
    return %min3A, %c0_i32 : i32, i32
  }
  func.func @transform_1(%arg0: i32) -> (i32, i32) {
    %sub3A = arith.constant 20 : i32
    %sub3A_0 = arith.subi %arg0, %sub3A : i32
    %jit3A = arith.constant 0 : i32
    %jit3A_1 = arith.constant 195 : i32
    %max3A = arith.maxsi %jit3A, %sub3A_0 : i32
    %min3A = arith.minsi %jit3A_1, %max3A : i32
    %c0_i32 = arith.constant 0 : i32
    %c0_i32_2 = arith.constant 0 : i32
    return %min3A, %c0_i32 : i32, i32
  }
  func.func @transform_2(%arg0: i32) -> (i32, i32) {
    %sub3A = arith.constant 20 : i32
    %sub3A_0 = arith.subi %arg0, %sub3A : i32
    %sub3A_1 = arith.constant 196 : i32
    %sub3A_2 = arith.subi %sub3A_0, %sub3A_1 : i32
    %jit3A = arith.constant 0 : i32
    %jit3A_3 = arith.constant 1 : i32
    %max3A = arith.maxsi %jit3A, %sub3A_2 : i32
    %min3A = arith.minsi %jit3A_3, %max3A : i32
    %c0_i32 = arith.constant 0 : i32
    %c0_i32_4 = arith.constant 0 : i32
    return %min3A, %c0_i32 : i32, i32
  }
  func.func @transform_3(%arg0: i32) -> (i32, i32, i32) {
    %c0_i32 = arith.constant 0 : i32
    %c0_i32_0 = arith.constant 0 : i32
    %c0_i32_1 = arith.constant 0 : i32
    %c0_i32_2 = arith.constant 0 : i32
    return %c0_i32, %c0_i32_0, %c0_i32_1 : i32, i32, i32
  }
  func.func @transform_4(%arg0: i32) -> (i32, i32) {
    %jit3A = arith.constant 0 : i32
    %jit3A_0 = arith.constant 215 : i32
    %max3A = arith.maxsi %jit3A, %arg0 : i32
    %min3A = arith.minsi %jit3A_0, %max3A : i32
    %c0_i32 = arith.constant 0 : i32
    %c0_i32_1 = arith.constant 0 : i32
    return %min3A, %c0_i32 : i32, i32
  }
  func.func @transform_5(%arg0: i32) -> (i32, i32) {
    %sub3A = arith.constant 20 : i32
    %sub3A_0 = arith.subi %arg0, %sub3A : i32
    %sub3A_1 = arith.constant 196 : i32
    %sub3A_2 = arith.subi %sub3A_0, %sub3A_1 : i32
    %jit3A = arith.constant 0 : i32
    %jit3A_3 = arith.constant 1 : i32
    %max3A = arith.maxsi %jit3A, %sub3A_2 : i32
    %min3A = arith.minsi %jit3A_3, %max3A : i32
    %c0_i32 = arith.constant 0 : i32
    %c0_i32_4 = arith.constant 0 : i32
    return %min3A, %c0_i32 : i32, i32
  }
}

module attributes {stable_mosaic.version = 14 : i64} {
  func.func @_combine_body(%arg0: i32, %arg1: memref<512x128xf32, #tpu.memory_space<vmem>>, %arg2: memref<3x32xf32, #tpu.memory_space<vmem>>, %arg3: memref<4x32x128xf32, #tpu.memory_space<vmem>>, %arg4: memref<1x128xf32, #tpu.memory_space<vmem>>, %arg5: memref<1536x128xf32, #tpu.memory_space<vmem>>) attributes {dimension_semantics = [#tpu.dimension_semantics<arbitrary>], iteration_bounds = array<i64: 2>, scalar_prefetch = 0 : i64, scratch_operands = 0 : i64, tpu.core_type = #tpu.core_type<tc>, window_params = [{transform_indices = @transform_0, window_bounds = array<i64: 512, 128>}, {pipeline_mode = #tpu.pipeline_mode<synchronous>, transform_indices = @transform_1, window_bounds = array<i64: 3, 32>}, {pipeline_mode = #tpu.pipeline_mode<synchronous>, transform_indices = @transform_2, window_bounds = array<i64: 4, 32, 128>}, {pipeline_mode = #tpu.pipeline_mode<synchronous>, transform_indices = @transform_3, window_bounds = array<i64: 1, 128>}, {transform_indices = @transform_4, window_bounds = array<i64: 1536, 128>}]} {
    %get3A = arith.constant 0 : index
    %get3A_0 = arith.constant 0 : index
    %get3A_1 = vector.load %arg2[%get3A, %get3A_0] : memref<3x32xf32, #tpu.memory_space<vmem>>, vector<3x32xf32>
    %get3A_2 = arith.constant 0 : index
    %get3A_3 = arith.constant 0 : index
    %get3A_4 = arith.constant 0 : index
    %get3A_5 = vector.load %arg3[%get3A_2, %get3A_3, %get3A_4] : memref<4x32x128xf32, #tpu.memory_space<vmem>>, vector<1x32x128xf32>
    %get3A_6 = vector.shape_cast %get3A_5 : vector<1x32x128xf32> to vector<32x128xf32>
    %dot_general3A = arith.constant dense<0.000000e+00> : vector<3x128xf32>
    %dot_general3A_7 = tpu.matmul %get3A_1, %get3A_6, %dot_general3A {dimension_numbers = #tpu.dot_dimension_numbers<[1], [0], [0], [1], [0, 0, 1, 1], [], []>, transpose_lhs_hint = false} : vector<3x32xf32>, vector<32x128xf32>, vector<3x128xf32> -> vector<3x128xf32>
    %get3A_8 = arith.constant 0 : index
    %get3A_9 = arith.constant 0 : index
    %get3A_10 = vector.load %arg4[%get3A_8, %get3A_9] : memref<1x128xf32, #tpu.memory_space<vmem>>, vector<1x128xf32>
    %add3A = vector.broadcast %get3A_10 : vector<1x128xf32> to vector<3x128xf32>
    %add3A_11 = arith.addf %dot_general3A_7, %add3A : vector<3x128xf32>
    %get3A_12 = arith.constant 0 : index
    %get3A_13 = arith.constant 0 : index
    %get3A_14 = vector.load %arg1[%get3A_12, %get3A_13] : memref<512x128xf32, #tpu.memory_space<vmem>>, vector<512x128xf32>
    %broadcast_in_dim3A = vector.shape_cast %get3A_14 : vector<512x128xf32> to vector<512x1x128xf32>
    %broadcast_in_dim3A_15 = vector.shape_cast %add3A_11 : vector<3x128xf32> to vector<1x3x128xf32>
    %add3A_16 = vector.broadcast %broadcast_in_dim3A : vector<512x1x128xf32> to vector<512x3x128xf32>
    %add3A_17 = vector.broadcast %broadcast_in_dim3A_15 : vector<1x3x128xf32> to vector<512x3x128xf32>
    %add3A_18 = arith.addf %add3A_16, %add3A_17 : vector<512x3x128xf32>
    %reshape3A = vector.shape_cast %add3A_18 : vector<512x3x128xf32> to vector<1536x128xf32>
    %swap3A = arith.constant 0 : index
    %swap3A_19 = arith.constant 0 : index
    %swap3A_20 = vector.load %arg5[%swap3A, %swap3A_19] : memref<1536x128xf32, #tpu.memory_space<vmem>>, vector<1536x128xf32>
    tpu.vector_store %arg5[%swap3A, %swap3A_19], %reshape3A {strides = array<i32>} : memref<1536x128xf32, #tpu.memory_space<vmem>>, vector<1536x128xf32>,
    return
  }
  func.func @transform_0(%arg0: i32) -> (i32, i32) {
    %c0_i32 = arith.constant 0 : i32
    %c0_i32_0 = arith.constant 0 : i32
    return %arg0, %c0_i32 : i32, i32
  }
  func.func @transform_1(%arg0: i32) -> (i32, i32) {
    %c0_i32 = arith.constant 0 : i32
    %c0_i32_0 = arith.constant 0 : i32
    %c0_i32_1 = arith.constant 0 : i32
    return %c0_i32, %c0_i32_0 : i32, i32
  }
  func.func @transform_2(%arg0: i32) -> (i32, i32, i32) {
    %c0_i32 = arith.constant 0 : i32
    %c0_i32_0 = arith.constant 0 : i32
    %c0_i32_1 = arith.constant 0 : i32
    %c0_i32_2 = arith.constant 0 : i32
    return %c0_i32, %c0_i32_0, %c0_i32_1 : i32, i32, i32
  }
  func.func @transform_3(%arg0: i32) -> (i32, i32) {
    %c0_i32 = arith.constant 0 : i32
    %c0_i32_0 = arith.constant 0 : i32
    %c0_i32_1 = arith.constant 0 : i32
    return %c0_i32, %c0_i32_0 : i32, i32
  }
  func.func @transform_4(%arg0: i32) -> (i32, i32) {
    %c0_i32 = arith.constant 0 : i32
    %c0_i32_0 = arith.constant 0 : i32
    return %arg0, %c0_i32 : i32, i32
  }
}

module attributes {stable_mosaic.version = 14 : i64} {
  func.func @_finish_body(%arg0: i32, %arg1: memref<12800x128xf32, #tpu.memory_space<vmem>>, %arg2: memref<12800x96xf32, #tpu.memory_space<vmem>>) attributes {dimension_semantics = [#tpu.dimension_semantics<arbitrary>], iteration_bounds = array<i64: 64>, scalar_prefetch = 0 : i64, scratch_operands = 0 : i64, tpu.core_type = #tpu.core_type<tc>, window_params = [{transform_indices = @transform_0, window_bounds = array<i64: 12800, 128>}, {transform_indices = @transform_1, window_bounds = array<i64: 12800, 96>}]} {
    %get3A = arith.constant 0 : index
    %get3A_0 = arith.constant 0 : index
    %get3A_1 = vector.load %arg1[%get3A, %get3A_0] : memref<12800x128xf32, #tpu.memory_space<vmem>>, vector<12800x96xf32>
    %swap3A = arith.constant 0 : index
    %swap3A_2 = arith.constant 0 : index
    %swap3A_3 = vector.load %arg2[%swap3A, %swap3A_2] : memref<12800x96xf32, #tpu.memory_space<vmem>>, vector<12800x96xf32>
    tpu.vector_store %arg2[%swap3A, %swap3A_2], %get3A_1 {strides = array<i32>} : memref<12800x96xf32, #tpu.memory_space<vmem>>, vector<12800x96xf32>,
    return
  }
  func.func @transform_0(%arg0: i32) -> (i32, i32) {
    %c0_i32 = arith.constant 0 : i32
    %c0_i32_0 = arith.constant 0 : i32
    return %arg0, %c0_i32 : i32, i32
  }
  func.func @transform_1(%arg0: i32) -> (i32, i32) {
    %c0_i32 = arith.constant 0 : i32
    %c0_i32_0 = arith.constant 0 : i32
    return %arg0, %c0_i32 : i32, i32
  }
}

</mosaic_0001>

<sc_bundles>
// kernel: kernel.6.cloned.1.call-start
scs
__scs_entry_jumppad:
0x0: {  	(pc) =	sbr.rel $0x88, $3  }
0x1: {  	(tag) =	ssettag $0x0;
	lr =	simm.s32 $0x1  }
0x2: {  	[smem:$0x3F97] =	sst lr;
	_ =	strace $0xD0000000  }
0x3: {  	_ = 	snop  }
0x4: {  	_ = 	snop  }
0x5: {  	_ = 	snop  }
0x6: {  	_ = 	snop  }
0x7: {  	_ = 	snop  }
__scs_overlays_trampoline_lowered:
0x8: {  	[smem:$0x3FA6] =	sst s0  }
0x9: {  	[smem:$0x3FA7] =	sst s1  }
0xa: {  	[smem:$0x3FA8] =	sst s2  }
0xb: {  	[smem:$0x3FA9] =	sst s3  }
0xc: {  	[smem:$0x3FAA] =	sst s4  }
0xd: {  	[smem:$0x3FAB] =	sst s5  }
0xe: {  	[smem:$0x3FAC] =	sst s6  }
0xf: {  	[smem:$0x3FAD] =	sst s7  }
0x10: {  	[smem:$0x3FAE] =	sst s8  }
0x11: {  	[smem:$0x3FAF] =	sst s9;
	s0 =	simm.s32 @!p0 $0x0  }
0x12: {  	s1 =	sld [smem:$0x3F95];
	s0 =	simm.s32 @p0 $0x1  }
0x13: {  	[smem:$0x3FB0] =	sst s0;
	s0 =	simm.s32 @!p1 $0x0  }
0x14: {  	s2 =	sld [smem:$0x3F94];
	s0 =	simm.s32 @p1 $0x1  }
0x15: {  	[smem:$0x3FB1] =	sst s0;
	s0 =	simm.s32 @!p2 $0x0  }
0x16: {  	s3 =	sld [smem:$0x3FDB];
	s0 =	simm.s32 @p2 $0x1  }
0x17: {  	s4 =	simm.s32 $0x1BF5;
	[smem:$0x3FB3] =	sst s0  }
0x18: {  	s0 =	sld [smem:$0x3F96];
	_ =	swait.ge [sflag:s4], $0x0  }
0x19: {  	s7 =	sld [smem:$0x3F97]  }
0x1a: {  	s8 =	sadd.s32 $0xFFFFE003, lr  }
0x1b: {  	s9 =	sadd.s32 $0xFFFFFEF7, lr;
	s5 =	simm.s32 $0xFFFFFFFF;
	p2 =	slt.u32 s8, $0xFFFFF086  }
0x1c: {  	p1 =	slt.u32 s9, $0xF7A;
	s5 =	simm.s32 @!p2 $0x0  }
0x1d: {  	s5 =	simm.s32 @p1 $0x1;
	p0 =	seq.s32 s7, s2  }
0x1e: {  	s7 =	smul.u32 @!p0 $0xF7A, s2;
	p2 =	seq.s32 @!p0 s5, $0x0  }
0x1f: {  	s9 =	smul.u32 $0xF7A, s1;
	s8 =	simm.s32 @!p0 $0x1BF5;
	p2 =	por !p2, p0  }
0x20: {  	[sflag:s8] =	ssyncset.s32 @!p0 $0xFFFFF086;
	s6 =	sadd.s32 @!p0 s3, s7;
	s7 =	simm.s32 @!p0 $0x108  }
0x21: {  	s3 =	sadd.s32 s3, s9;
	s6 =	sadd.s32 @!p0 $0x88, s6;
	s7 =	simm.s32 @p2 $0x1082  }
0x22: {  	[simem:s7], [sflag:s8] =	dma.local @!p0 [hbm:s6], $0xF7A  }
0x23: {  	s9 =	sor.u32 $0xD0000000, s2;
	s6 =	simm.s32 $0x108;
	_ =	swait.ge @!p0 [sflag:s8], $0x0  }
0x24: {  	s3 =	sadd.s32 $0x88, s3;
	s6 =	simm.s32 @!p1 $0x1082;
	[sflag:s4] =	ssyncset.s32 $0xFFFFF086  }
0x25: {  	[simem:s6], [sflag:s4] =	dma.local [hbm:s3], $0xF7A  }
0x26: {  	[smem:$0x3F97] =	sst s1;
	(tag) =	ssettag s2;
	_ =	strace s9  }
0x27: {  	s1 =	sld [smem:$0x3FA7]  }
0x28: {  	s2 =	sld [smem:$0x3FA8]  }
0x29: {  	s4 =	sld [smem:$0x3FAA]  }
0x2a: {  	p0 =	seq.s32 s5, $0x0;
	s5 =	sld [smem:$0x3FAB]  }
0x2b: {  	s6 =	sld [smem:$0x3FAC]  }
0x2c: {  	s7 =	sld [smem:$0x3FAD]  }
0x2d: {  	s3 =	simm.s32 $0x108;
	s8 =	sld [smem:$0x3FAE]  }
0x2e: {  	s3 =	simm.s32 @!p0 $0x1082;
	s9 =	sld [smem:$0x3FAF]  }
0x2f: {  	lr =	sadd.s32 s0, s3;
	s0 =	sld [smem:$0x3FA6]  }
0x30: {  	s3 =	sld [smem:$0x3FA9]  }
0x31: {  	[smem:$0x3FB2] =	sst s10  }
0x32: {  	s10 =	sld [smem:$0x3FB0];
	_ =	sdelay $0x3  }
0x33: {  	p0 =	seq.s32 s10, $0x1;
	s10 =	sld [smem:$0x3FB2];
	_ =	sdelay $0x3  }
0x34: {  	[smem:$0x3FB2] =	sst s10  }
0x35: {  	s10 =	sld [smem:$0x3FB1];
	_ =	sdelay $0x3  }
0x36: {  	p1 =	seq.s32 s10, $0x1;
	s10 =	sld [smem:$0x3FB2];
	_ =	sdelay $0x3  }
0x37: {  	[smem:$0x3FB2] =	sst s10  }
0x38: {  	s10 =	sld [smem:$0x3FB3]  }
0x39: {  	_ = 	snop;
	(pc) =	sbr.ind lr, $3  }
0x3a: {  	_ = 	snop  }
0x3b: {  	_ = 	snop  }
0x3c: {  	p2 =	seq.s32 s10, $0x1;
	s10 =	sld [smem:$0x3FB2]  }
0x3d: {  	_ =	shalt  }
0x3e: {  	_ =	shalt  }
0x3f: {  	_ =	shalt  }
0x40: {  	_ =	shalt  }
0x41: {  	_ =	shalt  }
0x42: {  	_ =	shalt  }
0x43: {  	_ =	shalt  }
0x44: {  	_ =	shalt  }
0x45: {  	_ =	shalt  }
0x46: {  	_ =	shalt  }
0x47: {  	_ =	shalt  }
0x48: {  	_ =	shalt  }
0x49: {  	_ =	shalt  }
0x4a: {  	_ =	shalt  }
0x4b: {  	_ =	shalt  }
0x4c: {  	_ =	shalt  }
0x4d: {  	_ =	shalt  }
0x4e: {  	_ =	shalt  }
0x4f: {  	_ =	shalt  }
0x50: {  	_ =	shalt  }
0x51: {  	_ =	shalt  }
0x52: {  	_ =	shalt  }
0x53: {  	_ =	shalt  }
0x54: {  	_ =	shalt  }
0x55: {  	_ =	shalt  }
0x56: {  	_ =	shalt  }
0x57: {  	_ =	shalt  }
0x58: {  	_ =	shalt  }
0x59: {  	_ =	shalt  }
0x5a: {  	_ =	shalt  }
0x5b: {  	_ =	shalt  }
0x5c: {  	_ =	shalt  }
0x5d: {  	_ =	shalt  }
0x5e: {  	_ =	shalt  }
0x5f: {  	_ =	shalt  }
0x60: {  	_ =	shalt  }
0x61: {  	_ =	shalt  }
0x62: {  	_ =	shalt  }
0x63: {  	_ =	shalt  }
0x64: {  	_ =	shalt  }
0x65: {  	_ =	shalt  }
0x66: {  	_ =	shalt  }
0x67: {  	_ =	shalt  }
0x68: {  	_ =	shalt  }
0x69: {  	_ =	shalt  }
0x6a: {  	_ =	shalt  }
0x6b: {  	_ =	shalt  }
0x6c: {  	_ =	shalt  }
0x6d: {  	_ =	shalt  }
0x6e: {  	_ =	shalt  }
0x6f: {  	_ =	shalt  }
0x70: {  	_ =	shalt  }
0x71: {  	_ =	shalt  }
0x72: {  	_ =	shalt  }
0x73: {  	_ =	shalt  }
0x74: {  	_ =	shalt  }
0x75: {  	_ =	shalt  }
0x76: {  	_ =	shalt  }
0x77: {  	_ =	shalt  }
0x78: {  	_ =	shalt  }
0x79: {  	_ =	shalt  }
0x7a: {  	_ =	shalt  }
0x7b: {  	_ =	shalt  }
0x7c: {  	_ =	shalt  }
0x7d: {  	_ =	shalt  }
0x7e: {  	_ =	shalt  }
0x7f: {  	_ =	shalt  }
0x80: {  	_ =	shalt  }
0x81: {  	_ =	shalt  }
0x82: {  	_ =	shalt  }
0x83: {  	_ =	shalt  }
0x84: {  	_ =	shalt  }
0x85: {  	_ =	shalt  }
0x86: {  	_ =	shalt  }
0x87: {  	_ =	shalt  }
.Lfunc_end0:
.L_simem_size_0:
called_computation.1_lowered:
.L_overlay_start_0:
0x88: {  	s2 =	sld [smem:$0x3FD9]  }
0x89: {  	s3 =	sld [smem:$0x3FFE];
	_ =	sdelay $0x1  }
0x8a: {  	s1 =	srdreg.scid  }
0x8b: {  	s0 =	sand.u32 $0x1, s1  }
0x8c: {  	s14 =	sshll.u32 s0, $0xA;
	s2 =	sadd.s32 s3, s2  }
0x8d: {  	s2 =	sadd.s32 s2, s14  }
0x8e: {  	[smem:$0x3FBE] =	sst s2  }
0x8f: {  	_ = 	snop  }
0x90: {  	s2 =	sld [smem:$0x3FD0];
	_ =	sdelay $0x2  }
0x91: {  	s15 =	simm.s32 $0xA;
	s4 =	simm.s32 $0x10  }
0x92: {  	[smem:s4], [sflag:s15] =	dma.local [hbm:s2], $0x1  }
0x93: {  	_ =	swait.eq [sflag:s15], $0x1  }
0x94: {  	[sflag:s15] =	ssyncset.done $0x0  }
0x95: {  	[sflag:s15] =	ssyncadd.s32 $0xFFFFFFFF  }
0x96: {  	s16 =	sld [smem:$0x10];
	(tm) =	ssettm $0x1  }
0x97: {  	s17 =	sld [smem:$0x3FFB];
	_ =	sdelay $0x3  }
0x98: {  	_ =	strace s17  }
0x99: {  	s3 =	sld [smem:$0x3FFC];
	_ =	sdelay $0x3  }
0x9a: {  	_ =	strace s3  }
0x9b: {  	s3 =	sld [smem:$0x3FFD];
	_ =	sdelay $0x3  }
0x9c: {  	_ =	strace s3  }
0x9d: {  	_ =	strace $0x8FFFFFFF  }
0x9e: {  	s18 =	sld [smem:$0x3FDB];
	_ =	sdelay $0x1  }
0x9f: {  	s19 =	simm.s32 $_scs_section_size  }
0xa0: {  	s5 =	simm.s32 $_size__tile_overlayer_lowered;
	s6 =	simm.s32 $_tile_overlayer_lowered  }
0xa1: {  	s22 =	simm.s32 $0x1BFF;
	s21 =	sshll.u32 s6, $0x1;
	s3 =	sadd.s32 s19, s18  }
0xa2: {  	s7 =	simm.s32 $0x0;
	s20 =	sshll.u32 s5, $0x1;
	s5 =	sadd.s32 s21, s3  }
0xa3: {  	[timem:s7], [sflag:s22] =	dma.local [hbm:s5], s20  }
0xa4: {  	_ =	swait.ge [sflag:s22], s20  }
0xa5: {  	s4 =	ssub.s32 $0x0, s20;
	[sflag:s22] =	ssyncset.done $0x0  }
0xa6: {  	[sflag:s22] =	ssyncadd.s32 s4;
	_ =	sdelay $0x1  }
0xa7: {  	s23 =	simm.s32 $0x1B8B  }
0xa8: {  	_ =	swait.ge [sflag:s23], $0x1  }
0xa9: {  	[sflag:s23] =	ssyncset.done $0x0  }
0xaa: {  	s25 =	simm.s32 $0x1B8E;
	s24 =	sld [smem:$0x3FFE];
	[sflag:s23] =	ssyncadd.s32 $0xFFFFFFFF  }
0xab: {  	s26 =	simm.s32 $execute0_lowered;
	[smem:$0x3FD2] =	sst s25  }
0xac: {  	s5 =	sshll.u32 s26, $0x1;
	_ =	strace $0x80000046;
	[dreg:$0x1] =	wrdreg $0xFFFFFFFF  }
0xad: {  	s28 =	simm.s32 $_size_execute0_lowered;
	s3 =	sadd.s32 s3, s5;
	[dreg:$0x0] =	wrdreg $0x0  }
0xae: {  	s5 =	sshll.u32 s28, $0x1;
	[dreg:$0x2] =	wrdreg s3  }
0xaf: {  	[dreg:$0x3] =	wrdreg s5  }
0xb0: {  	[dreg:$0x4] =	wrdreg $0xC0  }
0xb1: {  	_ =	task [dreg:s7], $0x5FFFF  }
0xb2: {  	[dreg:$0x1] =	wrdreg $0xFFFFFFFF  }
0xb3: {  	[dreg:$0x0] =	wrdreg $0x60  }
0xb4: {  	[dreg:$0x2] =	wrdreg s16  }
0xb5: {  	[dreg:$0x3] =	wrdreg s24  }
0xb6: {  	[dreg:$0x4] =	wrdreg $0x9  }
0xb7: {  	_ =	task.clear_ibuf [dreg:s7], $0x5FFFF;
	_ =	strace $0x90000046  }
0xb8: {  	s29 =	simm.s32 $0x9;
	_ =	strace $0x80000048  }
0xb9: {  	_ =	swait.ge [sflag:s29], $0x1  }
0xba: {  	[sflag:s29] =	ssyncadd.s32 $0xFFFFFFFF  }
0xbb: {  	_ =	strace $0x90000048  }
0xbc: {  	_ =	sfence  }
0xbd: {  	s30 =	sld [smem:$0x0];
	_ =	sdelay $0x2  }
0xbe: {  	s31 =	sshll.u32 s1, $0xD;
	s1 =	sshrl.u32 s1, $0x2  }
0xbf: {  	s3 =	sand.u32 $0x4000, s31;
	s1 =	sadd.s32 s1, s30  }
0xc0: {  	s0 =	sor.u32 s3, s0;
	s1 =	sshll.u32 s1, $0x11  }
0xc1: {  	s0 =	sor.u32 s1, s0  }
0xc2: {  	s0 =	sadd.s32 $0x8F2B, s0  }
0xc3: {  	[sflag:s0] =	ssyncadd.remote.s32 $0x1  }
0xc4: {  	_ =	sfence.sel $0xFFFF  }
0xc5: {  	[dreg:$0x0] =	wrdreg $0xFFFFFFFF;
	(pc) =	sbr.abs _section_cstart, $3  }
0xc6: {  	[dreg:$0x1] =	wrdreg $0xFFFFFFFF  }
0xc7: {  	_ =	task.clear_ibuf [dreg:s7], $0x2FFFF;
	_ =	strace $0x9FFFFFFF  }
0xc8: {  	(tm) =	ssettm $0x7FFFFFFF  }
0xc9: {  	_ =	shalt  }
tec
execute0_lowered:
.L_overlay_start_1:
0x0: {  	(tag) =	ssettag $0x1  }
0x1: {  	s2 =	rddreg [dreg:$0x0]  }
0x2: {  	s0 =	rddreg [dreg:$0x1]  }
0x3: {  	s1 =	srdreg.scid;
	s4 =	stileid.u32;
	s3 =	simm.s32 $0x0  }
0x4: {  	s14 =	simm.s32 $0x3;
	s15 =	simm.s32 $0x80;
	s16 =	simm.s32 $0x600  }
0x5: {  	s17 =	simm.s32 $0x400;
	s18 =	simm.s32 $0x4600;
	s19 =	simm.s32 $0x500  }
0x6: {  	s20 =	simm.s32 $0x8600;
	s21 =	simm.s32 $0x200;
	s22 =	simm.s32 $0xC600  }
0x7: {  	s23 =	simm.s32 $0x480;
	s24 =	simm.s32 $0x10600;
	s25 =	simm.s32 $0x580  }
0x8: {  	s28 =	simm.s32 $0x1;
	s29 =	simm.s32 $0x2;
	s30 =	simm.s32 $0x0  }
0x9: {  	s1 =	sand.u32 $0x1, s1;
	s4 =	sshll.u32 s4, $0x1;
	[smem:$0x7FF] =	sst s3  }
0xa: {  	s6 =	sadd.s32 $0x188800, s0;
	s7 =	sadd.s32 $0x1EC800, s0;
	s8 =	sor.u32 s1, s4  }
0xb: {  	_ =	strace $0x80000047;
	s1 =	ssub.s32 $0x2, s1;
	s5 =	smul.u32 $0x19000, s8  }
0xc: {  	s4 =	sadd.s32 $0x1C00, s0;
	s9 =	sshrl.u32 s1, $0x1;
	s12 =	smul.u32 $0x64000, s8  }
0xd: {  	s1 =	ssub.s32 s1, s9;
	s9 =	sadd.s32 $0x188840, s0;
	s10 =	sshrl.u32 s5, $0x3  }
0xe: {  	s11 =	sor.u32 $0x400, s5;
	s31 =	sadd.s32 s12, s7;
	s1 =	smax.u32 s1, $0x1  }
0xf: {  	s26 =	sadd.s32 s6, s10;
	s10 =	smul.u32 $0x320000, s8;
	[dreg:$0x4] =	wrdreg s1  }
0x10: {  	s13 =	sadd.s32 $0x800, s31;
	[dreg:$0x3] =	wrdreg s26;
	s26 =	simm.s32 $0x14600  }
.LBB2_1:
0x11: {  	s0 =	rddreg [dreg:$0x3]  }
0x12: {  	[tilespmem:s3], [sflag:$0x3] =	stream.linear.gather [hbm4b:s0+s3], $0x200, $0x38;
	[tilespmem:$0x18600] =	vst v63  }
0x13: {  	_ =	swait.ge [sflag:s14], $0x200  }
0x14: {  	[sflag:s14] =	ssyncset.done $0x0  }
0x15: {  	[sflag:s14] =	ssyncadd.s32 $0xFFFFFE00  }
0x16: {  	v0 =	vld [tilespmem:$0x80]  }
0x17: {  	v1 =	vld [tilespmem:$0x100]  }
0x18: {  	v2 =	vld [tilespmem:$0x180]  }
0x19: {  	v3 =	vld [tilespmem:$0x90]  }
0x1a: {  	v4 =	vld [tilespmem:$0x110]  }
0x1b: {  	v5 =	vld [tilespmem:$0x190]  }
0x1c: {  	v6 =	vld [tilespmem:$0xA0]  }
0x1d: {  	v7 =	vld [tilespmem:$0x120]  }
0x1e: {  	v8 =	vld [tilespmem:$0x1A0]  }
0x1f: {  	v9 =	vld [tilespmem:$0xB0]  }
0x20: {  	v10 =	vld [tilespmem:$0x130]  }
0x21: {  	v11 =	vld [tilespmem:$0x1B0]  }
0x22: {  	v12 =	vld [tilespmem:$0xC0]  }
0x23: {  	v36 =	vld [tilespmem:$0xD0];
	v0 =	vadd.s32 $0x2800, v0  }
0x24: {  	v44 =	vld [tilespmem:$0xE0];
	v35 =	vadd.s32 $0x2800, v3;
	[tilespmem:$0x400] =	vst v0  }
0x25: {  	v54 =	vld [tilespmem:$0xF0];
	v40 =	vadd.s32 $0x2800, v6;
	[tilespmem:$0x410] =	vst v35  }
0x26: {  	v13 =	vld [tilespmem:$0x140];
	v45 =	vadd.s32 $0x2800, v9;
	[tilespmem:$0x420] =	vst v40  }
0x27: {  	v34 =	vld [tilespmem:$0x1C0];
	v50 =	vadd.s32 $0x2800, v12;
	[tilespmem:$0x430] =	vst v45  }
0x28: {  	v39 =	vld [tilespmem:$0x150];
	v55 =	vadd.s32 $0x2800, v36;
	[tilespmem:$0x440] =	vst v50  }
0x29: {  	v41 =	vld [tilespmem:$0x1D0];
	v1 =	vmul.u32 $0x3, v1;
	v59 =	vadd.s32 $0x2800, v44;
	[tilespmem:$0x450] =	vst v55  }
0x2a: {  	v46 =	vld [tilespmem:$0x160];
	v33 =	vmul.u32 $0x3, v4;
	v62 =	vadd.s32 $0x2800, v54;
	[tilespmem:$0x460] =	vst v59  }
0x2b: {  	v51 =	vld [tilespmem:$0x170];
	v38 =	vmul.u32 $0x3, v7;
	[tilespmem:$0x470] =	vst v62;
	v32 =	vadd.s32 v2, v1  }
0x2c: {  	v49 =	vld [tilespmem:$0x1E0];
	v43 =	vmul.u32 $0x3, v10;
	v37 =	vadd.s32 v5, v33;
	[tilespmem:$0x500] =	vst v32  }
0x2d: {  	v56 =	vld [tilespmem:$0x1F0];
	v48 =	vmul.u32 $0x3, v13;
	v42 =	vadd.s32 v8, v38;
	[tilespmem:$0x510] =	vst v37  }
0x2e: {  	v53 =	vmul.u32 $0x3, v39;
	v47 =	vadd.s32 v11, v43;
	[tilespmem:$0x520] =	vst v42  }
0x2f: {  	v58 =	vmul.u32 $0x3, v46;
	v52 =	vadd.s32 v34, v48;
	[tilespmem:$0x530] =	vst v47  }
0x30: {  	v61 =	vmul.u32 $0x3, v51;
	v57 =	vadd.s32 v41, v53;
	[tilespmem:$0x540] =	vst v52  }
0x31: {  	v60 =	vadd.s32 v49, v58;
	[tilespmem:$0x550] =	vst v57  }
0x32: {  	v63 =	vadd.s32 v56, v61;
	[tilespmem:$0x560] =	vst v60  }
0x33: {  	[tilespmem:$0x570] =	vst v63  }
0x34: {  	[tilespmem:s16], [sflag:$0x1] =	stream.indirect.gather [hbm4b:s2+s15], $0x80, s3, s15, $0xb8;
	[tilespmem:$0x18600] =	vst v63  }
0x35: {  	_ = 	snop  }
0x36: {  	[tilespmem:s18], [sflag:$0x1] =	stream.indirect.gather [hbm4b:s2+s15], $0x80, s17, s15, $0xb8;
	[tilespmem:$0x18600] =	vst v63  }
0x37: {  	s31 =	simm.s32 $0x0  }
0x38: {  	[tilespmem:s20], [sflag:$0x1] =	stream.indirect.gather [hbm4b:s4+s15], $0x80, s19, s15, $0xb8;
	[tilespmem:$0x18600] =	vst v63  }
.LBB2_2:
0x39: {  	s0 =	sshll.u32 s31, $0xA  }
0x3a: {  	s1 =	sadd.s32 s5, s0  }
0x3b: {  	s1 =	sshrl.u32 s1, $0x3  }
0x3c: {  	s8 =	simm.s32 $0x0;
	s1 =	sadd.s32 s1, s9  }
0x3d: {  	[tilespmem:s21], [sflag:$0x3] =	stream.linear.gather [hbm4b:s1+s8], $0x200, $0x38;
	[tilespmem:$0x18600] =	vst v63  }
0x3e: {  	_ =	swait.ge [sflag:s14], $0x200  }
0x3f: {  	[sflag:s14] =	ssyncset.done $0x0  }
0x40: {  	[sflag:s14] =	ssyncadd.s32 $0xFFFFFE00  }
0x41: {  	v0 =	vld [tilespmem:$0x280]  }
0x42: {  	v1 =	vld [tilespmem:$0x300]  }
0x43: {  	v2 =	vld [tilespmem:$0x380]  }
0x44: {  	v3 =	vld [tilespmem:$0x290]  }
0x45: {  	v4 =	vld [tilespmem:$0x310]  }
0x46: {  	v5 =	vld [tilespmem:$0x390]  }
0x47: {  	v6 =	vld [tilespmem:$0x2A0]  }
0x48: {  	v7 =	vld [tilespmem:$0x320]  }
0x49: {  	v8 =	vld [tilespmem:$0x3A0]  }
0x4a: {  	v9 =	vld [tilespmem:$0x2B0]  }
0x4b: {  	v10 =	vld [tilespmem:$0x330]  }
0x4c: {  	v11 =	vld [tilespmem:$0x3B0]  }
0x4d: {  	v12 =	vld [tilespmem:$0x2C0];
	v1 =	vmul.u32 $0x3, v1  }
0x4e: {  	v13 =	vld [tilespmem:$0x340];
	v0 =	vadd.s32 $0x2800, v0  }
0x4f: {  	[tilespmem:$0x480] =	vst v0;
	v0 =	vadd.s32 v2, v1;
	v1 =	vmul.u32 $0x3, v4;
	v2 =	vld [tilespmem:$0x3C0]  }
0x50: {  	v4 =	vld [tilespmem:$0x350];
	[tilespmem:$0x580] =	vst v0;
	v0 =	vadd.s32 $0x2800, v3  }
0x51: {  	v3 =	vld [tilespmem:$0x2D0];
	[tilespmem:$0x490] =	vst v0;
	v0 =	vadd.s32 v5, v1;
	v1 =	vmul.u32 $0x3, v7  }
0x52: {  	v5 =	vld [tilespmem:$0x3D0];
	[tilespmem:$0x590] =	vst v0;
	v0 =	vadd.s32 $0x2800, v6  }
0x53: {  	v7 =	vld [tilespmem:$0x360];
	[tilespmem:$0x4A0] =	vst v0;
	v0 =	vadd.s32 v8, v1;
	v1 =	vmul.u32 $0x3, v10  }
0x54: {  	v6 =	vld [tilespmem:$0x2E0];
	[tilespmem:$0x5A0] =	vst v0;
	v0 =	vadd.s32 $0x2800, v9  }
0x55: {  	v8 =	vld [tilespmem:$0x3E0];
	[tilespmem:$0x4B0] =	vst v0;
	v0 =	vadd.s32 v11, v1;
	v1 =	vmul.u32 $0x3, v13  }
0x56: {  	v9 =	vld [tilespmem:$0x370];
	[tilespmem:$0x5B0] =	vst v0;
	v0 =	vadd.s32 $0x2800, v12  }
0x57: {  	[tilespmem:$0x4C0] =	vst v0;
	v0 =	vadd.s32 v2, v1;
	v1 =	vmul.u32 $0x3, v4;
	v2 =	vld [tilespmem:$0x2F0]  }
0x58: {  	[tilespmem:$0x5C0] =	vst v0;
	v0 =	vadd.s32 $0x2800, v3;
	v3 =	vld [tilespmem:$0x3F0]  }
0x59: {  	[tilespmem:$0x4D0] =	vst v0;
	v0 =	vadd.s32 v5, v1;
	v1 =	vmul.u32 $0x3, v7  }
0x5a: {  	[tilespmem:$0x5D0] =	vst v0;
	v0 =	vadd.s32 $0x2800, v6  }
0x5b: {  	[tilespmem:$0x4E0] =	vst v0;
	v0 =	vadd.s32 v8, v1;
	v1 =	vmul.u32 $0x3, v9  }
0x5c: {  	[tilespmem:$0x5E0] =	vst v0;
	v0 =	vadd.s32 $0x2800, v2  }
0x5d: {  	[tilespmem:$0x4F0] =	vst v0;
	v0 =	vadd.s32 v3, v1  }
0x5e: {  	[tilespmem:$0x5F0] =	vst v0  }
0x5f: {  	[tilespmem:s22], [sflag:$0x2] =	stream.indirect.gather [hbm4b:s2+s15], $0x80, s21, s15, $0xb8;
	[tilespmem:$0x18600] =	vst v63  }
0x60: {  	_ = 	snop  }
0x61: {  	[tilespmem:s24], [sflag:$0x2] =	stream.indirect.gather [hbm4b:s2+s15], $0x80, s23, s15, $0xb8;
	[tilespmem:$0x18600] =	vst v63  }
0x62: {  	_ = 	snop  }
0x63: {  	[tilespmem:s26], [sflag:$0x2] =	stream.indirect.gather [hbm4b:s4+s15], $0x80, s25, s15, $0xb8;
	[tilespmem:$0x18600] =	vst v63  }
0x64: {  	_ =	swait.ge [sflag:s28], $0x4000  }
0x65: {  	[sflag:s28] =	ssyncset.done $0x0  }
0x66: {  	[sflag:s28] =	ssyncadd.s32 $0xFFFFC000  }
0x67: {  	_ =	swait.ge [sflag:s28], $0x4000  }
0x68: {  	[sflag:s28] =	ssyncset.done $0x0  }
0x69: {  	[sflag:s28] =	ssyncadd.s32 $0xFFFFC000  }
0x6a: {  	_ =	swait.ge [sflag:s28], $0x4000  }
0x6b: {  	[sflag:s28] =	ssyncset.done $0x0  }
0x6c: {  	s1 =	simm.s32 $0x0;
	[sflag:s28] =	ssyncadd.s32 $0xFFFFC000  }
0x6d: {  	v3 =	vld [tilespmem:s1+$0x8600]  }
0x6e: {  	v2 =	vld [tilespmem:s1+$0x8610]  }
0x6f: {  	v1 =	vld [tilespmem:s1+$0x8620]  }
0x70: {  	v0 =	vld [tilespmem:s1+$0x8630]  }
0x71: {  	v8 =	vld [tilespmem:s1+$0x4600]  }
0x72: {  	v9 =	vld [tilespmem:s1+$0x4610]  }
0x73: {  	v7 =	vld [tilespmem:s1+$0x4620]  }
0x74: {  	v6 =	vld [tilespmem:s1+$0x4630]  }
0x75: {  	v5 =	vld [tilespmem:s1+$0x4640]  }
0x76: {  	v4 =	vld [tilespmem:s1+$0x4650]  }
0x77: {  	v14 =	vld [tilespmem:s1+$0x600]  }
0x78: {  	v13 =	vld [tilespmem:s1+$0x610]  }
0x79: {  	v12 =	vld [tilespmem:s1+$0x620]  }
0x7a: {  	v11 =	vld [tilespmem:s1+$0x630]  }
0x7b: {  	s8 =	simm.s32 $0x200;
	v10 =	vld [tilespmem:s1+$0x640]  }
.LBB2_3:
0x7c: {  	p0 =	sne.s32 s8, $0xFE00;
	v8 =	vadd.f32 v8, v14;
	v14 =	vld [tilespmem:s1+$0x650]  }
0x7d: {  	v9 =	vadd.f32 v9, v13;
	v13 =	vld [tilespmem:s1+$0x8640]  }
0x7e: {  	s12 =	sshra.s32 s8, $0x2;
	v8 =	vadd.f32 v3, v8;
	v7 =	vadd.f32 v7, v12;
	v12 =	vld [tilespmem:s1+$0x8650]  }
0x7f: {  	v3 =	vld [tilespmem:s12+$0x8600];
	v9 =	vadd.f32 v2, v9;
	v6 =	vadd.f32 v6, v11  }
0x80: {  	v2 =	vld [tilespmem:s12+$0x8610];
	[tilespmem:s1+$0x600] =	vst v8;
	v7 =	vadd.f32 v1, v7;
	v5 =	vadd.f32 v5, v10  }
0x81: {  	v1 =	vld [tilespmem:s12+$0x8620];
	[tilespmem:s1+$0x610] =	vst v9;
	v6 =	vadd.f32 v0, v6;
	v4 =	vadd.f32 v4, v14  }
0x82: {  	v0 =	vld [tilespmem:s12+$0x8630];
	[tilespmem:s1+$0x620] =	vst v7;
	v5 =	vadd.f32 v13, v5  }
0x83: {  	v8 =	vld [tilespmem:s12+$0x4600];
	[tilespmem:s1+$0x630] =	vst v6;
	v4 =	vadd.f32 v12, v4  }
0x84: {  	v9 =	vld [tilespmem:s12+$0x4610];
	[tilespmem:s1+$0x640] =	vst v5  }
0x85: {  	v7 =	vld [tilespmem:s12+$0x4620];
	[tilespmem:s1+$0x650] =	vst v4;
	s1 =	smov.u32 s12  }
0x86: {  	v6 =	vld [tilespmem:s1+$0x4630]  }
0x87: {  	v5 =	vld [tilespmem:s1+$0x4640]  }
0x88: {  	v4 =	vld [tilespmem:s1+$0x4650]  }
.Ltmp0:
0x89: {  	v14 =	vld [tilespmem:s1+$0x600];
	(pc) =	sbr.rel @p0 .LBB2_3-.Ltmp0, $4  }
0x8a: {  	v13 =	vld [tilespmem:s1+$0x610]  }
0x8b: {  	v12 =	vld [tilespmem:s1+$0x620]  }
0x8c: {  	v11 =	vld [tilespmem:s1+$0x630]  }
0x8d: {  	s8 =	sadd.s32 $0x200, s8;
	v10 =	vld [tilespmem:s1+$0x640]  }
0x8e: {  	v8 =	vadd.f32 v8, v14;
	v57 =	vld [tilespmem:s1+$0x650]  }
0x8f: {  	v58 =	vld [tilespmem:s1+$0x8640];
	v9 =	vadd.f32 v9, v13  }
0x90: {  	v59 =	vld [tilespmem:s1+$0x8650];
	v3 =	vadd.f32 v3, v8;
	v7 =	vadd.f32 v7, v12  }
0x91: {  	v2 =	vadd.f32 v2, v9;
	v6 =	vadd.f32 v6, v11  }
0x92: {  	[tilespmem:s1+$0x600] =	vst v3;
	v1 =	vadd.f32 v1, v7;
	v60 =	vadd.f32 v5, v10  }
0x93: {  	[tilespmem:s1+$0x610] =	vst v2;
	v0 =	vadd.f32 v0, v6;
	v61 =	vadd.f32 v4, v57  }
0x94: {  	s8 =	sshll.u32 s31, $0xF;
	[tilespmem:s1+$0x620] =	vst v1;
	v62 =	vadd.f32 v58, v60  }
0x95: {  	s8 =	sadd.s32 s10, s8;
	[tilespmem:s1+$0x630] =	vst v0;
	v63 =	vadd.f32 v59, v61  }
0x96: {  	p0 =	seq.s32 s31, $0x63;
	s8 =	sshrl.u32 s8, $0x3;
	[tilespmem:s1+$0x640] =	vst v62  }
.Ltmp1:
0x97: {  	s12 =	sadd.s32 s7, s8;
	[tilespmem:s1+$0x650] =	vst v63;
	(pc) =	sbr.rel @p0 .LBB2_6-.Ltmp1, $4  }
0x98: {  	[hbm4b:s12+s3] =	stream.linear.scatter [tilespmem:s16], [sflag:$0x3], $0x4000, $0x38;
	[tilespmem:$0x18600] =	vst v63  }
0x99: {  	_ =	swait.ge [sflag:s14], $0x4000  }
0x9a: {  	[sflag:s14] =	ssyncset.done $0x0  }
0x9b: {  	[sflag:s14] =	ssyncadd.s32 $0xFFFFC000  }
0x9c: {  	s0 =	sadd.s32 s0, s11  }
0x9d: {  	s0 =	sshrl.u32 s0, $0x3  }
0x9e: {  	s0 =	sadd.s32 s6, s0  }
0x9f: {  	[tilespmem:s3], [sflag:$0x3] =	stream.linear.gather [hbm4b:s0+s3], $0x200, $0x38;
	[tilespmem:$0x18600] =	vst v63  }
0xa0: {  	_ =	swait.ge [sflag:s14], $0x200  }
0xa1: {  	[sflag:s14] =	ssyncset.done $0x0  }
0xa2: {  	[sflag:s14] =	ssyncadd.s32 $0xFFFFFE00  }
0xa3: {  	v0 =	vld [tilespmem:$0x80]  }
0xa4: {  	v1 =	vld [tilespmem:$0x100]  }
0xa5: {  	v2 =	vld [tilespmem:$0x180]  }
0xa6: {  	v3 =	vld [tilespmem:$0x90]  }
0xa7: {  	v4 =	vld [tilespmem:$0x110]  }
0xa8: {  	v5 =	vld [tilespmem:$0x190]  }
0xa9: {  	v6 =	vld [tilespmem:$0xA0]  }
0xaa: {  	v7 =	vld [tilespmem:$0x120]  }
0xab: {  	v8 =	vld [tilespmem:$0x1A0]  }
0xac: {  	v9 =	vld [tilespmem:$0xB0]  }
0xad: {  	v10 =	vld [tilespmem:$0x130]  }
0xae: {  	v11 =	vld [tilespmem:$0x1B0]  }
0xaf: {  	v12 =	vld [tilespmem:$0xC0]  }
0xb0: {  	v36 =	vld [tilespmem:$0xD0];
	v0 =	vadd.s32 $0x2800, v0  }
0xb1: {  	v44 =	vld [tilespmem:$0xE0];
	v35 =	vadd.s32 $0x2800, v3;
	[tilespmem:$0x400] =	vst v0  }
0xb2: {  	v54 =	vld [tilespmem:$0xF0];
	v40 =	vadd.s32 $0x2800, v6;
	[tilespmem:$0x410] =	vst v35  }
0xb3: {  	v13 =	vld [tilespmem:$0x140];
	v45 =	vadd.s32 $0x2800, v9;
	[tilespmem:$0x420] =	vst v40  }
0xb4: {  	v34 =	vld [tilespmem:$0x1C0];
	v50 =	vadd.s32 $0x2800, v12;
	[tilespmem:$0x430] =	vst v45  }
0xb5: {  	v39 =	vld [tilespmem:$0x150];
	v55 =	vadd.s32 $0x2800, v36;
	[tilespmem:$0x440] =	vst v50  }
0xb6: {  	v41 =	vld [tilespmem:$0x1D0];
	v1 =	vmul.u32 $0x3, v1;
	v59 =	vadd.s32 $0x2800, v44;
	[tilespmem:$0x450] =	vst v55  }
0xb7: {  	v46 =	vld [tilespmem:$0x160];
	v33 =	vmul.u32 $0x3, v4;
	v62 =	vadd.s32 $0x2800, v54;
	[tilespmem:$0x460] =	vst v59  }
0xb8: {  	v51 =	vld [tilespmem:$0x170];
	v38 =	vmul.u32 $0x3, v7;
	[tilespmem:$0x470] =	vst v62;
	v32 =	vadd.s32 v2, v1  }
0xb9: {  	v49 =	vld [tilespmem:$0x1E0];
	v43 =	vmul.u32 $0x3, v10;
	v37 =	vadd.s32 v5, v33;
	[tilespmem:$0x500] =	vst v32  }
0xba: {  	v56 =	vld [tilespmem:$0x1F0];
	v48 =	vmul.u32 $0x3, v13;
	v42 =	vadd.s32 v8, v38;
	[tilespmem:$0x510] =	vst v37  }
0xbb: {  	v53 =	vmul.u32 $0x3, v39;
	v47 =	vadd.s32 v11, v43;
	[tilespmem:$0x520] =	vst v42  }
0xbc: {  	v58 =	vmul.u32 $0x3, v46;
	v52 =	vadd.s32 v34, v48;
	[tilespmem:$0x530] =	vst v47  }
0xbd: {  	v61 =	vmul.u32 $0x3, v51;
	v57 =	vadd.s32 v41, v53;
	[tilespmem:$0x540] =	vst v52  }
0xbe: {  	v60 =	vadd.s32 v49, v58;
	[tilespmem:$0x550] =	vst v57  }
0xbf: {  	v63 =	vadd.s32 v56, v61;
	[tilespmem:$0x560] =	vst v60  }
0xc0: {  	[tilespmem:$0x570] =	vst v63  }
0xc1: {  	[tilespmem:s16], [sflag:$0x1] =	stream.indirect.gather [hbm4b:s2+s15], $0x80, s3, s15, $0xb8;
	[tilespmem:$0x18600] =	vst v63  }
0xc2: {  	_ = 	snop  }
0xc3: {  	[tilespmem:s18], [sflag:$0x1] =	stream.indirect.gather [hbm4b:s2+s15], $0x80, s17, s15, $0xb8;
	[tilespmem:$0x18600] =	vst v63  }
0xc4: {  	_ = 	snop  }
0xc5: {  	[tilespmem:s20], [sflag:$0x1] =	stream.indirect.gather [hbm4b:s4+s15], $0x80, s19, s15, $0xb8;
	[tilespmem:$0x18600] =	vst v63  }
.LBB2_6:
0xc6: {  	_ =	swait.ge [sflag:s29], $0x4000  }
0xc7: {  	[sflag:s29] =	ssyncset.done $0x0  }
0xc8: {  	[sflag:s29] =	ssyncadd.s32 $0xFFFFC000  }
0xc9: {  	_ =	swait.ge [sflag:s29], $0x4000  }
0xca: {  	[sflag:s29] =	ssyncset.done $0x0  }
0xcb: {  	[sflag:s29] =	ssyncadd.s32 $0xFFFFC000  }
0xcc: {  	_ =	swait.ge [sflag:s29], $0x4000  }
0xcd: {  	[sflag:s29] =	ssyncset.done $0x0  }
0xce: {  	s0 =	simm.s32 $0x0;
	[sflag:s29] =	ssyncadd.s32 $0xFFFFC000  }
0xcf: {  	v3 =	vld [tilespmem:s0+$0x14600]  }
0xd0: {  	v2 =	vld [tilespmem:s0+$0x14610]  }
0xd1: {  	v1 =	vld [tilespmem:s0+$0x14620]  }
0xd2: {  	v0 =	vld [tilespmem:s0+$0x14630]  }
0xd3: {  	v8 =	vld [tilespmem:s0+$0x10600]  }
0xd4: {  	v9 =	vld [tilespmem:s0+$0x10610]  }
0xd5: {  	v7 =	vld [tilespmem:s0+$0x10620]  }
0xd6: {  	v6 =	vld [tilespmem:s0+$0x10630]  }
0xd7: {  	v5 =	vld [tilespmem:s0+$0x10640]  }
0xd8: {  	v4 =	vld [tilespmem:s0+$0x10650]  }
0xd9: {  	v14 =	vld [tilespmem:s0+$0xC600]  }
0xda: {  	v13 =	vld [tilespmem:s0+$0xC610]  }
0xdb: {  	v12 =	vld [tilespmem:s0+$0xC620]  }
0xdc: {  	v11 =	vld [tilespmem:s0+$0xC630]  }
0xdd: {  	s1 =	simm.s32 $0x200;
	v10 =	vld [tilespmem:s0+$0xC640]  }
.LBB2_7:
0xde: {  	p0 =	sne.s32 s1, $0xFE00;
	v8 =	vadd.f32 v8, v14;
	v14 =	vld [tilespmem:s0+$0xC650]  }
0xdf: {  	v9 =	vadd.f32 v9, v13;
	v13 =	vld [tilespmem:s0+$0x14640]  }
0xe0: {  	s8 =	sshra.s32 s1, $0x2;
	v8 =	vadd.f32 v3, v8;
	v7 =	vadd.f32 v7, v12;
	v12 =	vld [tilespmem:s0+$0x14650]  }
0xe1: {  	v3 =	vld [tilespmem:s8+$0x14600];
	v9 =	vadd.f32 v2, v9;
	v6 =	vadd.f32 v6, v11  }
0xe2: {  	v2 =	vld [tilespmem:s8+$0x14610];
	[tilespmem:s0+$0xC600] =	vst v8;
	v7 =	vadd.f32 v1, v7;
	v5 =	vadd.f32 v5, v10  }
0xe3: {  	v1 =	vld [tilespmem:s8+$0x14620];
	[tilespmem:s0+$0xC610] =	vst v9;
	v6 =	vadd.f32 v0, v6;
	v4 =	vadd.f32 v4, v14  }
0xe4: {  	v0 =	vld [tilespmem:s8+$0x14630];
	[tilespmem:s0+$0xC620] =	vst v7;
	v5 =	vadd.f32 v13, v5  }
0xe5: {  	v8 =	vld [tilespmem:s8+$0x10600];
	[tilespmem:s0+$0xC630] =	vst v6;
	v4 =	vadd.f32 v12, v4  }
0xe6: {  	v9 =	vld [tilespmem:s8+$0x10610];
	[tilespmem:s0+$0xC640] =	vst v5  }
0xe7: {  	v7 =	vld [tilespmem:s8+$0x10620];
	[tilespmem:s0+$0xC650] =	vst v4;
	s0 =	smov.u32 s8  }
0xe8: {  	v6 =	vld [tilespmem:s0+$0x10630]  }
0xe9: {  	v5 =	vld [tilespmem:s0+$0x10640]  }
0xea: {  	v4 =	vld [tilespmem:s0+$0x10650]  }
.Ltmp2:
0xeb: {  	v14 =	vld [tilespmem:s0+$0xC600];
	(pc) =	sbr.rel @p0 .LBB2_7-.Ltmp2, $4  }
0xec: {  	v13 =	vld [tilespmem:s0+$0xC610]  }
0xed: {  	v12 =	vld [tilespmem:s0+$0xC620]  }
0xee: {  	v11 =	vld [tilespmem:s0+$0xC630]  }
0xef: {  	s1 =	sadd.s32 $0x200, s1;
	v10 =	vld [tilespmem:s0+$0xC640]  }
0xf0: {  	v8 =	vadd.f32 v8, v14;
	v57 =	vld [tilespmem:s0+$0xC650]  }
0xf1: {  	v58 =	vld [tilespmem:s0+$0x14640];
	v9 =	vadd.f32 v9, v13  }
0xf2: {  	v59 =	vld [tilespmem:s0+$0x14650];
	v3 =	vadd.f32 v3, v8;
	v7 =	vadd.f32 v7, v12  }
0xf3: {  	v2 =	vadd.f32 v2, v9;
	v6 =	vadd.f32 v6, v11  }
0xf4: {  	[tilespmem:s0+$0xC600] =	vst v3;
	v1 =	vadd.f32 v1, v7;
	v60 =	vadd.f32 v5, v10  }
0xf5: {  	[tilespmem:s0+$0xC610] =	vst v2;
	v0 =	vadd.f32 v0, v6;
	v61 =	vadd.f32 v4, v57  }
0xf6: {  	[tilespmem:s0+$0xC620] =	vst v1;
	v62 =	vadd.f32 v58, v60  }
0xf7: {  	s1 =	sshll.u32 s31, $0xC;
	s31 =	sadd.s32 $0x1, s31;
	[tilespmem:s0+$0xC630] =	vst v0;
	v63 =	vadd.f32 v59, v61  }
0xf8: {  	p0 =	sne.s32 s31, $0x64;
	[tilespmem:s0+$0xC640] =	vst v62  }
.Ltmp3:
0xf9: {  	s12 =	sadd.s32 s13, s1;
	[tilespmem:s0+$0xC650] =	vst v63;
	(pc) =	sbr.rel @p0 .LBB2_2-.Ltmp3, $4  }
0xfa: {  	[hbm4b:s12+s3] =	stream.linear.scatter [tilespmem:s22], [sflag:$0x3], $0x4000, $0x38;
	[tilespmem:$0x18600] =	vst v63  }
0xfb: {  	_ =	swait.ge [sflag:s14], $0x4000  }
0xfc: {  	[sflag:s14] =	ssyncset.done $0x0  }
0xfd: {  	[sflag:s14] =	ssyncadd.s32 $0xFFFFC000  }
0xfe: {  	s30 =	sadd.s32 $0x1, s30;
	s0 =	rddreg [dreg:$0x4]  }
0xff: {  	p0 =	sne.s32 s30, s0  }
.Ltmp4:
0x100: {  	_ = 	snop;
	(pc) =	sbr.rel @p0 .LBB2_1-.Ltmp4, $1  }
0x101: {  	_ =	sdelay $0x3  }
0x102: {  	_ =	sfence.sel $0x180000  }
0x103: {  	[bflag:$0x0] =	sbarrier.arrive $0xFFFF  }
0x104: {  	_ =	strace $0x90000047  }
0x105: {  	s0 =	stileid.u32;
	[bflag:$0x2] =	sbarrier.arrive $0xFFFF  }
0x106: {  	p0 =	sne.s32 s0, $0x0;
	s0 =	rddreg [dreg:$0x2]  }
0x107: {  	s0 =	sadd.s32 @!p0 $0x100000, s0  }
0x108: {  	[sflag:s0] =	ssyncadd.tile.s32 @!p0 $0x1;
	_ =	shalt  }
.Lfunc_end2:
_tile_overlayer_lowered:
.L_overlay_start_2:
0x109: {  	(tag) =	ssettag $0x2  }
0x10a: {  	s0 =	rddreg [dreg:$0x0];
	s2 =	stileid.u32  }
0x10b: {  	s1 =	rddreg [dreg:$0x1];
	p0 =	sne.s32 s2, $0x0  }
0x10c: {  	s3 =	rddreg [dreg:$0x2];
	[bflag:$0x3] =	sbarrier.arrive $0xFFFF;
	s2 =	simm.s32 @!p0 $0x1C03  }
0x10d: {  	[timem:s3], [sflag:s2] =	dma.local @!p0 [hbm:s0], s1  }
0x10e: {  	s0 =	simm.s32 @!p0 $0x3  }
0x10f: {  	_ =	swait.ge @!p0 [sflag:s0], s1  }
0x110: {  	s1 =	ssub.s32 @!p0 $0x0, s1;
	[sflag:s0] =	ssyncset.done @!p0 $0x0  }
0x111: {  	[sflag:s0] =	ssyncadd.s32 @!p0 s1  }
0x112: {  	[bflag:$0x3] =	sbarrier.arrive $0xFFFF  }
0x113: {  	_ =	shalt  }

// kernel: sparse-core-data-format-call.cloned.1.call-start
scs
called_computation_lowered:
.L_overlay_start_0:
0x0: {  	s2 =	sld [smem:$0x3FD9]  }
0x1: {  	s3 =	sld [smem:$0x3FFE];
	_ =	sdelay $0x1  }
0x2: {  	s1 =	srdreg.scid  }
0x3: {  	s0 =	sand.u32 $0x1, s1  }
0x4: {  	s15 =	sshll.u32 s0, $0xA;
	s2 =	sadd.s32 s3, s2  }
0x5: {  	s2 =	sadd.s32 s2, s15  }
0x6: {  	[smem:$0x3FBE] =	sst s2  }
0x7: {  	_ = 	snop  }
0x8: {  	s2 =	sld [smem:$0x3FD0];
	_ =	sdelay $0x2  }
0x9: {  	s16 =	simm.s32 $0xA;
	s4 =	simm.s32 $0x10  }
0xa: {  	[smem:s4], [sflag:s16] =	dma.local [hbm:s2], $0x1  }
0xb: {  	_ =	swait.eq [sflag:s16], $0x1  }
0xc: {  	[sflag:s16] =	ssyncset.done $0x0  }
0xd: {  	[sflag:s16] =	ssyncadd.s32 $0xFFFFFFFF  }
0xe: {  	s17 =	sld [smem:$0x10];
	(tm) =	ssettm $0x1  }
0xf: {  	s18 =	sld [smem:$0x3FFB];
	_ =	sdelay $0x3  }
0x10: {  	_ =	strace s18  }
0x11: {  	s3 =	sld [smem:$0x3FFC];
	_ =	sdelay $0x3  }
0x12: {  	_ =	strace s3  }
0x13: {  	s3 =	sld [smem:$0x3FFD];
	_ =	sdelay $0x3  }
0x14: {  	_ =	strace s3  }
0x15: {  	_ =	strace $0x8FFFFFFF  }
0x16: {  	s19 =	sld [smem:$0x3FDB];
	_ =	sdelay $0x1  }
0x17: {  	s20 =	simm.s32 $_scs_section_size  }
0x18: {  	s5 =	simm.s32 $_size__tile_overlayer_lowered;
	s6 =	simm.s32 $_tile_overlayer_lowered  }
0x19: {  	s23 =	simm.s32 $0x1BFF;
	s22 =	sshll.u32 s6, $0x1;
	s3 =	sadd.s32 s20, s19  }
0x1a: {  	s7 =	simm.s32 $0x0;
	s21 =	sshll.u32 s5, $0x1;
	s5 =	sadd.s32 s22, s3  }
0x1b: {  	[timem:s7], [sflag:s23] =	dma.local [hbm:s5], s21  }
0x1c: {  	_ =	swait.ge [sflag:s23], s21  }
0x1d: {  	s4 =	ssub.s32 $0x0, s21;
	[sflag:s23] =	ssyncset.done $0x0  }
0x1e: {  	[sflag:s23] =	ssyncadd.s32 s4;
	_ =	sdelay $0x1  }
0x1f: {  	s24 =	simm.s32 $0x1B8B  }
0x20: {  	_ =	swait.ge [sflag:s24], $0x1  }
0x21: {  	[sflag:s24] =	ssyncset.done $0x0  }
0x22: {  	s26 =	simm.s32 $0x1B8E;
	s25 =	sld [smem:$0x3FFE];
	[sflag:s24] =	ssyncadd.s32 $0xFFFFFFFF  }
0x23: {  	s27 =	simm.s32 $execute0_lowered;
	[smem:$0x3FD2] =	sst s26  }
0x24: {  	s5 =	sshll.u32 s27, $0x1;
	_ =	strace $0x80000049;
	[dreg:$0x1] =	wrdreg $0xFFFFFFFF  }
0x25: {  	s28 =	simm.s32 $_size_execute0_lowered;
	s3 =	sadd.s32 s3, s5;
	[dreg:$0x0] =	wrdreg $0x0  }
0x26: {  	s5 =	sshll.u32 s28, $0x1;
	[dreg:$0x2] =	wrdreg s3  }
0x27: {  	[dreg:$0x3] =	wrdreg s5  }
0x28: {  	[dreg:$0x4] =	wrdreg $0xC0  }
0x29: {  	_ =	task [dreg:s7], $0x5FFFF  }
0x2a: {  	[dreg:$0x1] =	wrdreg $0xFFFFFFFF  }
0x2b: {  	[dreg:$0x0] =	wrdreg $0x60  }
0x2c: {  	[dreg:$0x2] =	wrdreg s25  }
0x2d: {  	[dreg:$0x3] =	wrdreg s17  }
0x2e: {  	[dreg:$0x4] =	wrdreg $0x9  }
0x2f: {  	_ =	task.clear_ibuf [dreg:s7], $0x5FFFF;
	_ =	strace $0x90000049  }
0x30: {  	s29 =	simm.s32 $0x9;
	_ =	strace $0x8000004B  }
0x31: {  	_ =	swait.ge [sflag:s29], $0x1  }
0x32: {  	[sflag:s29] =	ssyncadd.s32 $0xFFFFFFFF  }
0x33: {  	_ =	strace $0x9000004B  }
0x34: {  	_ =	sfence  }
0x35: {  	s30 =	sld [smem:$0x0];
	_ =	sdelay $0x2  }
0x36: {  	s31 =	sshll.u32 s1, $0xD;
	s1 =	sshrl.u32 s1, $0x2  }
0x37: {  	s3 =	sand.u32 $0x4000, s31;
	s1 =	sadd.s32 s1, s30  }
0x38: {  	s0 =	sor.u32 s3, s0;
	s1 =	sshll.u32 s1, $0x11  }
0x39: {  	s0 =	sor.u32 s1, s0  }
0x3a: {  	s0 =	sadd.s32 $0x8F2B, s0  }
0x3b: {  	[sflag:s0] =	ssyncadd.remote.s32 $0x1  }
0x3c: {  	_ =	sfence.sel $0xFFFF  }
0x3d: {  	[dreg:$0x0] =	wrdreg $0xFFFFFFFF;
	(pc) =	sbr.abs _section_cstart, $3  }
0x3e: {  	[dreg:$0x1] =	wrdreg $0xFFFFFFFF  }
0x3f: {  	_ =	task.clear_ibuf [dreg:s7], $0x2FFFF;
	_ =	strace $0x9FFFFFFF  }
0x40: {  	(tm) =	ssettm $0x7FFFFFFF  }
0x41: {  	_ =	shalt  }
tec
execute0_lowered:
.L_overlay_start_1:
0x0: {  	(tag) =	ssettag $0x1  }
0x1: {  	s0 =	srdreg.scid  }
0x2: {  	s1 =	sshll.u32 s0, $0x4  }
0x3: {  	s6 =	rddreg [dreg:$0x0];
	s0 =	stileid.u32;
	s1 =	sand.u32 $0x10, s1  }
0x4: {  	s3 =	rddreg [dreg:$0x1];
	s1 =	sor.u32 s0, s1  }
0x5: {  	s5 =	simm.s32 $0x1;
	s31 =	simm.s32 $0x2;
	s2 =	sshll.u32 s1, $0x7  }
0x6: {  	s15 =	simm.s32 $0x0;
	s8 =	simm.s32 $0x8000;
	s4 =	ssub.s32 $0x1000, s2  }
0x7: {  	s14 =	simm.s32 $0x0;
	s9 =	simm.s32 $0x0;
	s30 =	sand.u32 $0xF80, s4  }
0x8: {  	s10 =	simm.s32 $0x0;
	s11 =	simm.s32 $0x0;
	p0 =	sne.s32 s30, $0x0  }
.Ltmp0:
0x9: {  	s7 =	sshrl.u32 s4, $0xC;
	s5 =	simm.s32 @!p0 $0x0;
	(pc) =	sbr.rel .LBB1_1-.Ltmp0, $4  }
0xa: {  	s13 =	simm.s32 $0x0;
	s1 =	rddreg [dreg:$0x2];
	s5 =	sadd.s32 s5, s7  }
0xb: {  	_ =	strace $0x8000004A;
	s4 =	simm.s32 $0x1;
	s5 =	smul.u32 $0xC8, s5  }
0xc: {  	s6 =	sadd.s32 $0xE6C800, s6;
	s12 =	smov.u32 s2;
	[sflag:s4] =	ssyncpa.u1 $0x0  }
0xd: {  	[sflag:s31] =	ssyncpa.u1 $0x0;
	p0 =	por $0x0, $0x0;
	s7 =	sor.u32 $0x1, s5  }
.LBB1_4:
0xe: {  	s20 =	sshra.s32 s20, $0x2;
	s28 =	sshll.u32 s10, $0x3;
	p1 =	sgt.s32 s9, $0xC7  }
0xf: {  	s21 =	smov.u32 s9;
	s23 =	sshra.s32 s9, $0x1F;
	s24 =	smov.u32 s10  }
0x10: {  	v5 =	vld [tilespmem:s17+$0xFFFFFFD0];
	[tilespmem:s18+$0x2040 ss:$0x81] =	vst.msk $0xffff, v4;
	s25 =	sshra.s32 s10, $0x1F;
	s26 =	sand.u32 $0x78, s10;
	s19 =	sadd.s32 s20, s19  }
0x11: {  	v58 =	vld [tilespmem:s17+$0xFFFFFFE0];
	[tilespmem:s18+$0x2850 ss:$0x81] =	vst.msk $0xffff, v3;
	s22 =	sshrl.u32 s28, $0xC;
	s21 =	simm.s32 @!p1 $0xC7;
	s23 =	sand.u32 s23, s9  }
0x12: {  	v59 =	vld [tilespmem:s17+$0xFFFFFFF0];
	[tilespmem:s18+$0x3060 ss:$0x81] =	vst.msk $0xffff, v2;
	p1 =	sgt.s32 s10, $0xF80;
	s29 =	sand.u32 s25, s10;
	s20 =	sand.u32 $0xC00, s28  }
0x13: {  	v60 =	vld [tilespmem:s17+$0x0];
	[tilespmem:s18+$0x0 ss:$0x81] =	vst.msk $0xffff, v0;
	s28 =	smul.u32 $0xC000, s9;
	s21 =	ssub.s32 s21, s23;
	s24 =	simm.s32 @!p1 $0xF80  }
0x14: {  	v61 =	vld [tilespmem:s17+$0x10];
	s30 =	smulhi.u32 $0x2AAAAAB, s22;
	[tilespmem:s19+$0x3870 ss:$0x81] =	vst.msk $0xffff, v1;
	s20 =	sor.u32 s26, s20;
	s31 =	ssub.s32 $0xC8, s21  }
0x15: {  	v62 =	vld [tilespmem:s17+$0x20];
	s23 =	ssub.s32 s24, s29;
	s21 =	sadd.s32 $0xFFFFFF39, s21;
	s25 =	smul.u32 $0x60, s31;
	[tilespmem:s19+$0x810 ss:$0x81] =	vst.msk $0xffff, v5  }
0x16: {  	v63 =	vld [tilespmem:s17+$0xFFFFFFC0];
	s18 =	smul.u32 $0x60, s30;
	p1 =	sgt.s32 s21, $0x0;
	s27 =	sadd.s32 $0xFFFFF080, s23;
	[tilespmem:s19+$0x1020 ss:$0x81] =	vst.msk $0xffff, v58  }
0x17: {  	s17 =	ssub.s32 $0x1000, s23;
	[tilespmem:s19+$0x1830 ss:$0x81] =	vst.msk $0xffff, v59;
	s25 =	simm.s32 @p1 $0x0;
	p1 =	sgt.s32 s27, $0x7F  }
0x18: {  	s29 =	sand.u32 $0x7, s10;
	[tilespmem:s19+$0x2040 ss:$0x81] =	vst.msk $0xffff, v60;
	s18 =	ssub.s32 s22, s18;
	s17 =	simm.s32 @p1 $0x0  }
0x19: {  	s21 =	sadd.s32 s3, s28;
	[tilespmem:s19+$0x2850 ss:$0x81] =	vst.msk $0xffff, v61;
	s18 =	sshll.u32 s18, $0x9;
	s17 =	smul.u32 s17, s25  }
0x1a: {  	s20 =	sshrl.u32 s20, $0x3;
	s30 =	sshll.u32 s29, $0x12;
	[tilespmem:s19+$0x3060 ss:$0x81] =	vst.msk $0xffff, v62;
	s18 =	sadd.s32 s18, s21  }
0x1b: {  	[tilespmem:s19+$0x0 ss:$0x81] =	vst.msk $0xffff, v63;
	s31 =	sor.u32 $0x400, s30;
	s18 =	sadd.s32 s20, s18;
	s17 =	sand.u32 $0x3FFFFFE0, s17  }
0x1c: {  	[hbm4b:s18+s31] =	stream.strided.scatter [tilespmem:s16], [sflag:$0x2], s17, s8, s31, $0x20;
	[tilespmem:$0x10100] =	vst v63  }
.LBB1_5:
0x1d: {  	p1 =	slt.u32 s13, $0x2  }
0x1e: {  	s17 =	smov.u32 s15;
	p2 =	sgt.s32 @!p1 s15, $0xC7;
	s16 =	sshra.s32 @!p1 s15, $0x1F  }
0x1f: {  	p3 =	sgt.s32 @!p1 s14, $0xF80;
	s18 =	sshra.s32 @!p1 s14, $0x1F;
	p2 =	por !p2, p1  }
0x20: {  	s15 =	sand.u32 @!p1 s16, s15;
	p3 =	por !p3, p1;
	s16 =	smov.u32 s14  }
0x21: {  	s14 =	sand.u32 @!p1 s18, s14;
	s17 =	simm.s32 @p2 $0xC7;
	s16 =	simm.s32 @p3 $0xF80  }
0x22: {  	s18 =	smov.u32 s12;
	s15 =	ssub.s32 @!p1 s17, s15;
	s14 =	ssub.s32 @!p1 s16, s14  }
0x23: {  	s16 =	sadd.s32 @!p1 $0xFFFFFF39, s15;
	s15 =	ssub.s32 @!p1 $0xC8, s15;
	s17 =	sadd.s32 @!p1 $0xFFFFF080, s14  }
0x24: {  	p2 =	sgt.s32 @!p1 s16, $0x0;
	s15 =	smul.u32 @!p1 $0x60, s15;
	p3 =	sgt.s32 @!p1 s17, $0x7F  }
0x25: {  	s14 =	ssub.s32 @!p1 $0x1000, s14;
	p2 =	por !p2, p1;
	p3 =	por !p3, p1  }
0x26: {  	s16 =	sadd.s32 $0x1, s11;
	s15 =	simm.s32 @!p2 $0x0;
	s14 =	simm.s32 @!p3 $0x0  }
0x27: {  	p2 =	sgt.s32 s16, $0xC7;
	s14 =	smul.u32 @!p1 s14, s15;
	s15 =	sadd.s32 $0x1000, s12  }
0x28: {  	s18 =	smov.u32 @p2 s15  }
0x29: {  	s16 =	simm.s32 @p2 $0x0;
	p2 =	sgt.s32 s18, $0xFFF  }
0x2a: {  	s18 =	smov.u32 @p2 s2;
	p2 =	sne.s32 s13, s7  }
.Ltmp1:
0x2b: {  	p0 =	por !p0, !p0;
	s17 =	simm.s32 @!p1 $0x2;
	(pc) =	sbr.rel @!p2 .LBB1_6-.Ltmp1, $4  }
0x2c: {  	s15 =	smov.u32 s9;
	s9 =	smov.u32 s11;
	s14 =	sand.u32 @!p1 $0x3FFFFFE0, s14  }
0x2d: {  	s11 =	smov.u32 s16;
	_ =	swait.ge @!p1 [sflag:s17], s14;
	s19 =	ssub.s32 @!p1 $0x0, s14  }
0x2e: {  	s14 =	smov.u32 s10;
	s13 =	sadd.s32 $0x1, s13;
	[sflag:s17] =	ssyncset.done @!p1 $0x0  }
0x2f: {  	s10 =	smov.u32 s12;
	s12 =	smov.u32 s18;
	[sflag:s17] =	ssyncadd.s32 @!p1 s19  }
.LBB1_1:
0x30: {  	p1 =	sge.u32 s13, s5  }
0x31: {  	s16 =	sand.u32 @!p1 $0x1FFFFFF, s11  }
0x32: {  	s17 =	smulhi.u32 @!p1 $0x147AE15, s16;
	_ =	sdelay $0x1  }
0x33: {  	s17 =	smul.u32 @!p1 $0xC8, s17  }
0x34: {  	s18 =	sxor.u32 @!p1 $0xFFFFFFFF, s13;
	s19 =	smul.u32 @!p1 $0xC80, s12  }
0x35: {  	s31 =	sadd.s32 $0xFFFFFFFF, s13;
	s18 =	sshll.u32 @!p1 s18, $0xE;
	s16 =	ssub.s32 @!p1 s16, s17  }
0x36: {  	s17 =	sand.u32 @!p1 $0x4000, s18;
	s18 =	sadd.s32 @!p1 s6, s19;
	s16 =	sshll.u32 @!p1 s16, $0x4  }
0x37: {  	s19 =	simm.s32 @!p1 $0x6400;
	s16 =	sadd.s32 @!p1 s16, s18;
	s18 =	simm.s32 @!p1 $0x80  }
0x38: {  	[tilespmem:s17], [sflag:$0x1] =	stream.strided.gather @!p1 [hbm4b:s16+s18], $0x4000, s19, s18, $0x38;
	[tilespmem:$0x10100] =	vst v63  }
0x39: {  	p1 =	sge.u32 s31, s5  }
.Ltmp2:
0x3a: {  	_ = 	snop;
	(pc) =	sbr.rel @p1 .LBB1_5-.Ltmp2, $1  }
0x3b: {  	_ =	sdelay $0x3  }
0x3c: {  	s16 =	simm.s32 $0x1  }
0x3d: {  	_ =	swait.ge [sflag:s4], $0x4000;
	s16 =	simm.s32 @!p0 $0x0  }
0x3e: {  	[sflag:s4] =	ssyncset.done $0x0;
	s17 =	sshll.u32 s16, $0xE  }
0x3f: {  	[sflag:s4] =	ssyncadd.s32 $0xFFFFC000;
	s17 =	sor.u32 $0x40, s17  }
0x40: {  	s16 =	smul.u32 $0x10200, s16;
	v0 =	vld [tilespmem:s17+$0x30]  }
0x41: {  	v1 =	vld [tilespmem:s17+$0xFFFFFFD0]  }
0x42: {  	s16 =	sshrl.u32 s16, $0x2;
	v5 =	vld [tilespmem:s17+$0xFFFFFFE0]  }
0x43: {  	v6 =	vld [tilespmem:s17+$0xFFFFFFF0];
	s19 =	sor.u32 $0x8000, s16  }
0x44: {  	s31 =	sand.u32 $0x1, s13;
	v4 =	vld [tilespmem:s17+$0x0];
	s18 =	sadd.s32 $0x0, s19  }
0x45: {  	v3 =	vld [tilespmem:s17+$0x10];
	s16 =	smul.u32 $0x10200, s31;
	[tilespmem:s18+$0x3870 ss:$0x81] =	vst.msk $0xffff, v0  }
0x46: {  	v2 =	vld [tilespmem:s17+$0x20];
	[tilespmem:s18+$0x810 ss:$0x81] =	vst.msk $0xffff, v1  }
0x47: {  	s16 =	sshrl.u32 s16, $0x2;
	v0 =	vld [tilespmem:s17+$0xFFFFFFC0];
	[tilespmem:s18+$0x1020 ss:$0x81] =	vst.msk $0xffff, v5;
	s17 =	sadd.s32 $0x80, s17  }
0x48: {  	s20 =	simm.s32 $0x4;
	s21 =	simm.s32 $0x8;
	s16 =	sor.u32 $0x8000, s16;
	[tilespmem:s18+$0x1830 ss:$0x81] =	vst.msk $0xffff, v6;
	v1 =	vld [tilespmem:s17+$0x30]  }
.LBB1_3:
0x49: {  	p1 =	sne.s32 s21, $0x1FC;
	v5 =	vld [tilespmem:s17+$0xFFFFFFD0];
	[tilespmem:s18+$0x2040 ss:$0x81] =	vst.msk $0xffff, v4  }
0x4a: {  	v6 =	vld [tilespmem:s17+$0xFFFFFFE0];
	[tilespmem:s18+$0x2850 ss:$0x81] =	vst.msk $0xffff, v3  }
0x4b: {  	s22 =	sshra.s32 s20, $0x2;
	s20 =	smov.u32 s21;
	v7 =	vld [tilespmem:s17+$0xFFFFFFF0];
	[tilespmem:s18+$0x3060 ss:$0x81] =	vst.msk $0xffff, v2  }
.Ltmp3:
0x4c: {  	v4 =	vld [tilespmem:s17+$0x0];
	[tilespmem:s18+$0x0 ss:$0x81] =	vst.msk $0xffff, v0;
	s18 =	sadd.s32 s22, s19;
	(pc) =	sbr.rel @p1 .LBB1_3-.Ltmp3, $4  }
0x4d: {  	v3 =	vld [tilespmem:s17+$0x10];
	[tilespmem:s18+$0x3870 ss:$0x81] =	vst.msk $0xffff, v1  }
0x4e: {  	[tilespmem:s18+$0x810 ss:$0x81] =	vst.msk $0xffff, v5;
	v2 =	vld [tilespmem:s17+$0x20]  }
0x4f: {  	v0 =	vld [tilespmem:s17+$0xFFFFFFC0];
	[tilespmem:s18+$0x1020 ss:$0x81] =	vst.msk $0xffff, v6;
	s17 =	sadd.s32 $0x80, s17  }
0x50: {  	s21 =	sadd.s32 $0x4, s21;
	v1 =	vld [tilespmem:s17+$0x30];
	[tilespmem:s18+$0x1830 ss:$0x81] =	vst.msk $0xffff, v7  }
.Ltmp4:
0x51: {  	_ = 	snop;
	(pc) =	sbr.rel .LBB1_4-.Ltmp4, $1  }
0x52: {  	_ =	sdelay $0x3  }
.LBB1_6:
0x53: {  	_ =	sfence.sel $0x180000  }
0x54: {  	s2 =	simm.s32 $0x1;
	[bflag:$0x0] =	sbarrier.arrive $0xFFFF  }
0x55: {  	s31 =	simm.s32 $0x2;
	[sflag:s2] =	ssyncpa.u1 $0x1  }
0x56: {  	[sflag:s31] =	ssyncpa.u1 $0x1  }
0x57: {  	p0 =	sne.s32 s0, $0x0;
	_ =	strace $0x9000004A  }
0x58: {  	s0 =	sadd.s32 @!p0 $0x100000, s1;
	[bflag:$0x2] =	sbarrier.arrive $0xFFFF  }
0x59: {  	[sflag:s0] =	ssyncadd.tile.s32 @!p0 $0x1;
	_ =	shalt  }
.Lfunc_end1:
_tile_overlayer_lowered:
.L_overlay_start_2:
0x5a: {  	(tag) =	ssettag $0x2  }
0x5b: {  	s0 =	rddreg [dreg:$0x0];
	s2 =	stileid.u32  }
0x5c: {  	s1 =	rddreg [dreg:$0x1];
	p0 =	sne.s32 s2, $0x0  }
0x5d: {  	s3 =	rddreg [dreg:$0x2];
	[bflag:$0x3] =	sbarrier.arrive $0xFFFF;
	s2 =	simm.s32 @!p0 $0x1C01  }
0x5e: {  	[timem:s3], [sflag:s2] =	dma.local @!p0 [hbm:s0], s1  }
0x5f: {  	s0 =	simm.s32 @!p0 $0x1  }
0x60: {  	_ =	swait.ge @!p0 [sflag:s0], s1  }
0x61: {  	s1 =	ssub.s32 @!p0 $0x0, s1;
	[sflag:s0] =	ssyncset.done @!p0 $0x0  }
0x62: {  	[sflag:s0] =	ssyncadd.s32 @!p0 s1  }
0x63: {  	[bflag:$0x3] =	sbarrier.arrive $0xFFFF  }
0x64: {  	_ =	shalt  }

</sc_bundles>
